<compile_context>
chip_gen: v7x
topology: tpu7x:2x2x1
jax: 0.10.2.dev20260603
libtpu: 0.0.44.dev20260713+nightly
codegen_flags: <defaults>
</compile_context>

<pallas_src>
import functools

import jax
import jax.numpy as jnp
from jax import lax
from jax.experimental import pallas as pl
from jax.experimental.pallas import tpu as pltpu
from jax.experimental.pallas import tpu_sc as plsc

D_MODEL = 1024
EPS = 1e-5
NUM_CORES = 2
NUM_SUBCORES = 16
NW = NUM_CORES * NUM_SUBCORES
CHUNK = 32
NSLICE = 4
BLOCK_ROWS = 1024


def _sc_gather(tokens):
    per_w = tokens // NW
    nchunk = per_w // CHUNK
    mesh = plsc.VectorSubcoreMesh(core_axis_name="c", subcore_axis_name="s")

    @functools.partial(
        pl.kernel,
        out_type=jax.ShapeDtypeStruct((tokens, D_MODEL), jnp.float32),
        mesh=mesh,
        compiler_params=pltpu.CompilerParams(needs_layout_passes=False),
        scratch_types=[
            pltpu.VMEM((per_w,), jnp.int32),
            pltpu.VMEM((CHUNK, D_MODEL), jnp.float32),
            pltpu.VMEM((CHUNK, D_MODEL), jnp.float32),
            pltpu.SemaphoreType.DMA,
            pltpu.SemaphoreType.DMA,
            pltpu.SemaphoreType.DMA,
            pltpu.SemaphoreType.DMA,
        ],
    )
    def body(ids_hbm, table_hbm, out_hbm, idx_v, rows0, rows1,
             gs0, gs1, os0, os1):
        wid = lax.axis_index("s") * NUM_CORES + lax.axis_index("c")
        base = wid * per_w
        pltpu.sync_copy(ids_hbm.at[pl.ds(base, per_w)], idx_v)

        def start_gather(g, buf, sem):
            pltpu.async_copy(
                table_hbm.at[idx_v.at[pl.ds(g * CHUNK, CHUNK)]], buf, sem)

        def wait_gather(g, buf, sem):
            pltpu.make_async_copy(
                table_hbm.at[idx_v.at[pl.ds(g * CHUNK, CHUNK)]], buf, sem
            ).wait()

        start_gather(0, rows0, gs0)
        start_gather(1, rows1, gs1)

        def pair_body(i, _):
            for b, (buf, gs, osm) in enumerate(
                    ((rows0, gs0, os0), (rows1, gs1, os1))):
                g = i * 2 + b
                wait_gather(g, buf, gs)
                dst = out_hbm.at[pl.ds(base + g * CHUNK, CHUNK)]
                pltpu.async_copy(buf, dst, osm)
                pltpu.make_async_copy(buf, dst, osm).wait()

                @pl.when(g + 2 < nchunk)
                def _():
                    start_gather(g + 2, buf, gs)
            return 0

        lax.fori_loop(0, nchunk // 2, pair_body, 0)

    return body


def _tc_layernorm(tokens):
    def ln_body(x_ref, g_ref, b_ref, o_ref):
        x = x_ref[...]
        mean = jnp.mean(x, axis=-1, keepdims=True)
        ex2 = jnp.mean(x * x, axis=-1, keepdims=True)
        r = lax.rsqrt(ex2 - mean * mean + EPS)
        o_ref[...] = (x - mean) * r * g_ref[...] + b_ref[...]

    return pl.pallas_call(
        ln_body,
        grid=(tokens // BLOCK_ROWS,),
        in_specs=[
            pl.BlockSpec((BLOCK_ROWS, D_MODEL), lambda i: (i, 0)),
            pl.BlockSpec((1, D_MODEL), lambda i: (0, 0)),
            pl.BlockSpec((1, D_MODEL), lambda i: (0, 0)),
        ],
        out_specs=pl.BlockSpec((BLOCK_ROWS, D_MODEL), lambda i: (i, 0)),
        out_shape=jax.ShapeDtypeStruct((tokens, D_MODEL), jnp.float32),
    )


def kernel(input_ids, table, gamma, beta):
    b, s = input_ids.shape
    ids = input_ids.reshape(-1).astype(jnp.int32)
    tokens = b * s
    t = tokens // 2
    gather = _sc_gather(t)
    ln = _tc_layernorm(t)
    g2 = gamma.reshape(1, D_MODEL)
    b2 = beta.reshape(1, D_MODEL)
    outs = [ln(gather(lax.dynamic_slice_in_dim(ids, k * t, t), table), g2, b2)
            for k in range(2)]
    return jnp.concatenate(outs, axis=0).reshape(b, s, D_MODEL)

# --- scband reference (transcript-rebuilt; emitter-appended) ---
"""Pipeline reference for scband-text-feature-extractor-70858370449815 (READ-ONLY COPY).

The authoritative reference and input builder live on the scoring server;
editing this copy changes nothing except your own understanding.
"""

import jax, jax.numpy as jnp
import numpy as np

VOCAB = 100000
D_MODEL = 1024
BATCH = 4
SEQ = 8192
EPS = 1e-5


def setup_inputs(seed: int = 0) -> dict:
    key = jax.random.key(seed)
    k_ids, k_tab = jax.random.split(key)
    input_ids = jax.random.randint(k_ids, (BATCH, SEQ), 0, VOCAB, dtype=jnp.int64 if jax.config.jax_enable_x64 else jnp.int32)
    # Embedding table, init scale ~ 1/sqrt(d_model) like embedding_weight_init
    table = jax.random.normal(k_tab, (VOCAB, D_MODEL), dtype=jnp.float32) * (D_MODEL ** -0.5)
    gamma = jnp.ones((D_MODEL,), dtype=jnp.float32)
    beta = jnp.zeros((D_MODEL,), dtype=jnp.float32)
    return {"input_ids": input_ids, "table": table, "gamma": gamma, "beta": beta}


def reference(input_ids, table, gamma, beta):
    # wte: embedding gather
    h = jnp.take(table, input_ids, axis=0)  # (B, S, D)
    # layer norm over last dim
    mean = jnp.mean(h, axis=-1, keepdims=True)
    var = jnp.mean((h - mean) ** 2, axis=-1, keepdims=True)
    h = (h - mean) * jax.lax.rsqrt(var + EPS)
    h = h * gamma + beta
    # dropout with p=0.0 (eval / no-op)
    return h

if __name__ == "__main__":
    import jax
    _d = setup_inputs()
    print(jax.jit(kernel)(*tuple(_d.values())))

</pallas_src>

<mosaic_0001>
#map = affine_map<(d0, d1) -> (0)>
#map1 = affine_map<(d0, d1) -> (0, 0)>
module attributes {stable_mosaic.version = 14 : i64} {
  func.func @body(%arg0: i32, %arg1: i32, %arg2: memref<16384xi32, #tpu.memory_space<hbm>>, %arg3: memref<100000x1024xf32, #tpu.memory_space<hbm>>, %arg4: memref<16384x1024xf32, #tpu.memory_space<hbm>>, %arg5: memref<512xi32, #tpu.memory_space<vmem>>, %arg6: memref<32x1024xf32, #tpu.memory_space<vmem>>, %arg7: memref<32x1024xf32, #tpu.memory_space<vmem>>, %arg8: memref<!tpu.dma_semaphore, #tpu.memory_space<semaphore_mem>>, %arg9: memref<!tpu.dma_semaphore, #tpu.memory_space<semaphore_mem>>, %arg10: memref<!tpu.dma_semaphore, #tpu.memory_space<semaphore_mem>>, %arg11: memref<!tpu.dma_semaphore, #tpu.memory_space<semaphore_mem>>) attributes {dimension_semantics = [#tpu.dimension_semantics<core_parallel>, #tpu.dimension_semantics<subcore_parallel>], iteration_bounds = array<i64: 2, 16>, scalar_prefetch = 0 : i64, scratch_operands = 7 : i64, tpu.core_type = #tpu.core_type<sc_vector_subcore>, window_params = [{transform_indices = #map}, {transform_indices = #map1}, {transform_indices = #map1}]} {
    %mul3A = arith.constant 2 : i32
    %mul3A_0 = arith.muli %arg1, %mul3A : i32
    %add3A = arith.addi %mul3A_0, %arg0 : i32
    %mul3A_1 = arith.constant 512 : i32
    %mul3A_2 = arith.muli %add3A, %mul3A_1 : i32
    "tpu.region"() ({
      %run_scoped3A = tpu.sem_alloc : memref<!tpu.dma_semaphore, #tpu.memory_space<semaphore_mem>>
      %dma_start3A_18 = tpu.memref_slice %arg2[%mul3A_2] : memref<16384xi32, #tpu.memory_space<hbm>> -> memref<512xi32, #tpu.memory_space<hbm>>
      %dma_start3A_19 = tpu.memref_slice %arg2[%mul3A_2] : memref<16384xi32, #tpu.memory_space<hbm>> -> memref<512xi32, #tpu.memory_space<hbm>>
      tpu.enqueue_dma source(%dma_start3A_19 : memref<512xi32, #tpu.memory_space<hbm>>) target(%arg5 : memref<512xi32, #tpu.memory_space<vmem>>) target_semaphore(%run_scoped3A : memref<!tpu.dma_semaphore, #tpu.memory_space<semaphore_mem>>)
      %dma_wait3A = tpu.memref_slice %arg2[%mul3A_2] : memref<16384xi32, #tpu.memory_space<hbm>> -> memref<512xi32, #tpu.memory_space<hbm>>
      %dma_wait3A_20 = tpu.memref_slice %arg2[%mul3A_2] : memref<16384xi32, #tpu.memory_space<hbm>> -> memref<512xi32, #tpu.memory_space<hbm>>
      tpu.wait_dma2 semaphore(%run_scoped3A : memref<!tpu.dma_semaphore, #tpu.memory_space<semaphore_mem>>) src(%dma_wait3A_20 : memref<512xi32, #tpu.memory_space<hbm>>) dst(%arg5 : memref<512xi32, #tpu.memory_space<vmem>>)
      tpu.yield
    }) : () -> ()
    %dma_start3A = arith.constant 0 : i32
    %dma_start3A_3 = tpu.memref_slice %arg5[%dma_start3A] : memref<512xi32, #tpu.memory_space<vmem>> -> memref<32xi32, #tpu.memory_space<vmem>>
    %dma_start3A_4 = arith.constant 0 : i32
    %dma_start3A_5 = arith.constant 0 : i32
    %dma_start3A_6 = tpu.memref_slice %arg3[%dma_start3A_4, %dma_start3A_5] : memref<100000x1024xf32, #tpu.memory_space<hbm>> -> memref<100000x1024xf32, #tpu.memory_space<hbm>>
    tpu.enqueue_indirect_dma source(%dma_start3A_6 : memref<100000x1024xf32, #tpu.memory_space<hbm>>) target(%arg6 : memref<32x1024xf32, #tpu.memory_space<vmem>>) offsets(%dma_start3A_3 : memref<32xi32, #tpu.memory_space<vmem>>) semaphore(%arg8 : memref<!tpu.dma_semaphore, #tpu.memory_space<semaphore_mem>>)
    %dma_start3A_7 = arith.constant 32 : i32
    %dma_start3A_8 = tpu.memref_slice %arg5[%dma_start3A_7] : memref<512xi32, #tpu.memory_space<vmem>> -> memref<32xi32, #tpu.memory_space<vmem>>
    %dma_start3A_9 = arith.constant 0 : i32
    %dma_start3A_10 = arith.constant 0 : i32
    %dma_start3A_11 = tpu.memref_slice %arg3[%dma_start3A_9, %dma_start3A_10] : memref<100000x1024xf32, #tpu.memory_space<hbm>> -> memref<100000x1024xf32, #tpu.memory_space<hbm>>
    tpu.enqueue_indirect_dma source(%dma_start3A_11 : memref<100000x1024xf32, #tpu.memory_space<hbm>>) target(%arg7 : memref<32x1024xf32, #tpu.memory_space<vmem>>) offsets(%dma_start3A_8 : memref<32xi32, #tpu.memory_space<vmem>>) semaphore(%arg9 : memref<!tpu.dma_semaphore, #tpu.memory_space<semaphore_mem>>)
    %scan3A = arith.constant 0 : i32
    %scan3A_12 = arith.constant 0 : i32
    %scan3A_13 = arith.constant 8 : i32
    %scan3A_14 = arith.addi %scan3A_12, %scan3A_13 : i32
    %scan3A_15 = arith.constant 1 : i32
    %scan3A_16 = scf.for %scan3A_18 = %scan3A_12 to %scan3A_14 step %scan3A_15 iter_args(%scan3A_19 = %scan3A) -> (i32)  : i32 {
      %mul3A_20 = arith.constant 2 : i32
      %mul3A_21 = arith.muli %scan3A_18, %mul3A_20 : i32
      %add3A_22 = arith.constant 0 : i32
      %add3A_23 = arith.addi %mul3A_21, %add3A_22 : i32
      %mul3A_24 = arith.constant 32 : i32
      %mul3A_25 = arith.muli %add3A_23, %mul3A_24 : i32
      %dma_wait3A = tpu.memref_slice %arg5[%mul3A_25] : memref<512xi32, #tpu.memory_space<vmem>> -> memref<32xi32, #tpu.memory_space<vmem>>
      %dma_wait3A_26 = arith.constant 0 : i32
      %dma_wait3A_27 = arith.constant 0 : i32
      %dma_wait3A_28 = tpu.memref_slice %arg3[%dma_wait3A_26, %dma_wait3A_27] : memref<100000x1024xf32, #tpu.memory_space<hbm>> -> memref<100000x1024xf32, #tpu.memory_space<hbm>>
      tpu.wait_indirect_dma semaphore(%arg8 : memref<!tpu.dma_semaphore, #tpu.memory_space<semaphore_mem>>) src(%dma_wait3A_28 : memref<100000x1024xf32, #tpu.memory_space<hbm>>) dst(%arg6 : memref<32x1024xf32, #tpu.memory_space<vmem>>)
      %mul3A_29 = arith.constant 32 : i32
      %mul3A_30 = arith.muli %add3A_23, %mul3A_29 : i32
      %add3A_31 = arith.addi %mul3A_2, %mul3A_30 : i32
      %dma_start3A_32 = arith.constant 0 : i32
      %dma_start3A_33 = tpu.memref_slice %arg4[%add3A_31, %dma_start3A_32] : memref<16384x1024xf32, #tpu.memory_space<hbm>> -> memref<32x1024xf32, #tpu.memory_space<hbm>>
      %dma_start3A_34 = arith.constant 0 : i32
      %dma_start3A_35 = tpu.memref_slice %arg4[%add3A_31, %dma_start3A_34] : memref<16384x1024xf32, #tpu.memory_space<hbm>> -> memref<32x1024xf32, #tpu.memory_space<hbm>>
      tpu.enqueue_dma source(%arg6 : memref<32x1024xf32, #tpu.memory_space<vmem>>) target(%dma_start3A_35 : memref<32x1024xf32, #tpu.memory_space<hbm>>) target_semaphore(%arg10 : memref<!tpu.dma_semaphore, #tpu.memory_space<semaphore_mem>>)
      %dma_wait3A_36 = arith.constant 0 : i32
      %dma_wait3A_37 = tpu.memref_slice %arg4[%add3A_31, %dma_wait3A_36] : memref<16384x1024xf32, #tpu.memory_space<hbm>> -> memref<32x1024xf32, #tpu.memory_space<hbm>>
      %dma_wait3A_38 = arith.constant 0 : i32
      %dma_wait3A_39 = tpu.memref_slice %arg4[%add3A_31, %dma_wait3A_38] : memref<16384x1024xf32, #tpu.memory_space<hbm>> -> memref<32x1024xf32, #tpu.memory_space<hbm>>
      tpu.wait_dma2 semaphore(%arg10 : memref<!tpu.dma_semaphore, #tpu.memory_space<semaphore_mem>>) src(%arg6 : memref<32x1024xf32, #tpu.memory_space<vmem>>) dst(%dma_wait3A_39 : memref<32x1024xf32, #tpu.memory_space<hbm>>)
      %add3A_40 = arith.constant 2 : i32
      %add3A_41 = arith.addi %add3A_23, %add3A_40 : i32
      %lt3A = arith.constant 16 : i32
      %lt3A_42 = arith.cmpi slt, %add3A_41, %lt3A : i32
      %convert_element_type3A = arith.extui %lt3A_42 : i1 to i32
      %cond3A = arith.constant 0 : i32
      %cond3A_43 = arith.cmpi ne, %convert_element_type3A, %cond3A : i32
      scf.if %cond3A_43 {
        %add3A_73 = arith.constant 2 : i32
        %add3A_74 = arith.addi %add3A_23, %add3A_73 : i32
        %mul3A_75 = arith.constant 32 : i32
        %mul3A_76 = arith.muli %add3A_74, %mul3A_75 : i32
        %dma_start3A_77 = tpu.memref_slice %arg5[%mul3A_76] : memref<512xi32, #tpu.memory_space<vmem>> -> memref<32xi32, #tpu.memory_space<vmem>>
        %dma_start3A_78 = arith.constant 0 : i32
        %dma_start3A_79 = arith.constant 0 : i32
        %dma_start3A_80 = tpu.memref_slice %arg3[%dma_start3A_78, %dma_start3A_79] : memref<100000x1024xf32, #tpu.memory_space<hbm>> -> memref<100000x1024xf32, #tpu.memory_space<hbm>>
        tpu.enqueue_indirect_dma source(%dma_start3A_80 : memref<100000x1024xf32, #tpu.memory_space<hbm>>) target(%arg6 : memref<32x1024xf32, #tpu.memory_space<vmem>>) offsets(%dma_start3A_77 : memref<32xi32, #tpu.memory_space<vmem>>) semaphore(%arg8 : memref<!tpu.dma_semaphore, #tpu.memory_space<semaphore_mem>>)
      } else {
      }
      %mul3A_44 = arith.constant 2 : i32
      %mul3A_45 = arith.muli %scan3A_18, %mul3A_44 : i32
      %add3A_46 = arith.constant 1 : i32
      %add3A_47 = arith.addi %mul3A_45, %add3A_46 : i32
      %mul3A_48 = arith.constant 32 : i32
      %mul3A_49 = arith.muli %add3A_47, %mul3A_48 : i32
      %dma_wait3A_50 = tpu.memref_slice %arg5[%mul3A_49] : memref<512xi32, #tpu.memory_space<vmem>> -> memref<32xi32, #tpu.memory_space<vmem>>
      %dma_wait3A_51 = arith.constant 0 : i32
      %dma_wait3A_52 = arith.constant 0 : i32
      %dma_wait3A_53 = tpu.memref_slice %arg3[%dma_wait3A_51, %dma_wait3A_52] : memref<100000x1024xf32, #tpu.memory_space<hbm>> -> memref<100000x1024xf32, #tpu.memory_space<hbm>>
      tpu.wait_indirect_dma semaphore(%arg9 : memref<!tpu.dma_semaphore, #tpu.memory_space<semaphore_mem>>) src(%dma_wait3A_53 : memref<100000x1024xf32, #tpu.memory_space<hbm>>) dst(%arg7 : memref<32x1024xf32, #tpu.memory_space<vmem>>)
      %mul3A_54 = arith.constant 32 : i32
      %mul3A_55 = arith.muli %add3A_47, %mul3A_54 : i32
      %add3A_56 = arith.addi %mul3A_2, %mul3A_55 : i32
      %dma_start3A_57 = arith.constant 0 : i32
      %dma_start3A_58 = tpu.memref_slice %arg4[%add3A_56, %dma_start3A_57] : memref<16384x1024xf32, #tpu.memory_space<hbm>> -> memref<32x1024xf32, #tpu.memory_space<hbm>>
      %dma_start3A_59 = arith.constant 0 : i32
      %dma_start3A_60 = tpu.memref_slice %arg4[%add3A_56, %dma_start3A_59] : memref<16384x1024xf32, #tpu.memory_space<hbm>> -> memref<32x1024xf32, #tpu.memory_space<hbm>>
      tpu.enqueue_dma source(%arg7 : memref<32x1024xf32, #tpu.memory_space<vmem>>) target(%dma_start3A_60 : memref<32x1024xf32, #tpu.memory_space<hbm>>) target_semaphore(%arg11 : memref<!tpu.dma_semaphore, #tpu.memory_space<semaphore_mem>>)
      %dma_wait3A_61 = arith.constant 0 : i32
      %dma_wait3A_62 = tpu.memref_slice %arg4[%add3A_56, %dma_wait3A_61] : memref<16384x1024xf32, #tpu.memory_space<hbm>> -> memref<32x1024xf32, #tpu.memory_space<hbm>>
      %dma_wait3A_63 = arith.constant 0 : i32
      %dma_wait3A_64 = tpu.memref_slice %arg4[%add3A_56, %dma_wait3A_63] : memref<16384x1024xf32, #tpu.memory_space<hbm>> -> memref<32x1024xf32, #tpu.memory_space<hbm>>
      tpu.wait_dma2 semaphore(%arg11 : memref<!tpu.dma_semaphore, #tpu.memory_space<semaphore_mem>>) src(%arg7 : memref<32x1024xf32, #tpu.memory_space<vmem>>) dst(%dma_wait3A_64 : memref<32x1024xf32, #tpu.memory_space<hbm>>)
      %add3A_65 = arith.constant 2 : i32
      %add3A_66 = arith.addi %add3A_47, %add3A_65 : i32
      %lt3A_67 = arith.constant 16 : i32
      %lt3A_68 = arith.cmpi slt, %add3A_66, %lt3A_67 : i32
      %convert_element_type3A_69 = arith.extui %lt3A_68 : i1 to i32
      %cond3A_70 = arith.constant 0 : i32
      %cond3A_71 = arith.cmpi ne, %convert_element_type3A_69, %cond3A_70 : i32
      scf.if %cond3A_71 {
        %add3A_73 = arith.constant 2 : i32
        %add3A_74 = arith.addi %add3A_47, %add3A_73 : i32
        %mul3A_75 = arith.constant 32 : i32
        %mul3A_76 = arith.muli %add3A_74, %mul3A_75 : i32
        %dma_start3A_77 = tpu.memref_slice %arg5[%mul3A_76] : memref<512xi32, #tpu.memory_space<vmem>> -> memref<32xi32, #tpu.memory_space<vmem>>
        %dma_start3A_78 = arith.constant 0 : i32
        %dma_start3A_79 = arith.constant 0 : i32
        %dma_start3A_80 = tpu.memref_slice %arg3[%dma_start3A_78, %dma_start3A_79] : memref<100000x1024xf32, #tpu.memory_space<hbm>> -> memref<100000x1024xf32, #tpu.memory_space<hbm>>
        tpu.enqueue_indirect_dma source(%dma_start3A_80 : memref<100000x1024xf32, #tpu.memory_space<hbm>>) target(%arg7 : memref<32x1024xf32, #tpu.memory_space<vmem>>) offsets(%dma_start3A_77 : memref<32xi32, #tpu.memory_space<vmem>>) semaphore(%arg9 : memref<!tpu.dma_semaphore, #tpu.memory_space<semaphore_mem>>)
      } else {
      }
      %scan3A_72 = arith.constant 0 : i32
      scf.yield %scan3A_72 : i32
    }
    %scan3A_17 = arith.constant 8 : i32
    return
  }
}

#map = affine_map<(d0, d1) -> (0)>
#map1 = affine_map<(d0, d1) -> (0, 0)>
module attributes {stable_mosaic.version = 14 : i64} {
  func.func @body(%arg0: i32, %arg1: i32, %arg2: memref<16384xi32, #tpu.memory_space<hbm>>, %arg3: memref<100000x1024xf32, #tpu.memory_space<hbm>>, %arg4: memref<16384x1024xf32, #tpu.memory_space<hbm>>, %arg5: memref<512xi32, #tpu.memory_space<vmem>>, %arg6: memref<32x1024xf32, #tpu.memory_space<vmem>>, %arg7: memref<32x1024xf32, #tpu.memory_space<vmem>>, %arg8: memref<!tpu.dma_semaphore, #tpu.memory_space<semaphore_mem>>, %arg9: memref<!tpu.dma_semaphore, #tpu.memory_space<semaphore_mem>>, %arg10: memref<!tpu.dma_semaphore, #tpu.memory_space<semaphore_mem>>, %arg11: memref<!tpu.dma_semaphore, #tpu.memory_space<semaphore_mem>>) attributes {dimension_semantics = [#tpu.dimension_semantics<core_parallel>, #tpu.dimension_semantics<subcore_parallel>], iteration_bounds = array<i64: 2, 16>, scalar_prefetch = 0 : i64, scratch_operands = 7 : i64, tpu.core_type = #tpu.core_type<sc_vector_subcore>, window_params = [{transform_indices = #map}, {transform_indices = #map1}, {transform_indices = #map1}]} {
    %mul3A = arith.constant 2 : i32
    %mul3A_0 = arith.muli %arg1, %mul3A : i32
    %add3A = arith.addi %mul3A_0, %arg0 : i32
    %mul3A_1 = arith.constant 512 : i32
    %mul3A_2 = arith.muli %add3A, %mul3A_1 : i32
    "tpu.region"() ({
      %run_scoped3A = tpu.sem_alloc : memref<!tpu.dma_semaphore, #tpu.memory_space<semaphore_mem>>
      %dma_start3A_18 = tpu.memref_slice %arg2[%mul3A_2] : memref<16384xi32, #tpu.memory_space<hbm>> -> memref<512xi32, #tpu.memory_space<hbm>>
      %dma_start3A_19 = tpu.memref_slice %arg2[%mul3A_2] : memref<16384xi32, #tpu.memory_space<hbm>> -> memref<512xi32, #tpu.memory_space<hbm>>
      tpu.enqueue_dma source(%dma_start3A_19 : memref<512xi32, #tpu.memory_space<hbm>>) target(%arg5 : memref<512xi32, #tpu.memory_space<vmem>>) target_semaphore(%run_scoped3A : memref<!tpu.dma_semaphore, #tpu.memory_space<semaphore_mem>>)
      %dma_wait3A = tpu.memref_slice %arg2[%mul3A_2] : memref<16384xi32, #tpu.memory_space<hbm>> -> memref<512xi32, #tpu.memory_space<hbm>>
      %dma_wait3A_20 = tpu.memref_slice %arg2[%mul3A_2] : memref<16384xi32, #tpu.memory_space<hbm>> -> memref<512xi32, #tpu.memory_space<hbm>>
      tpu.wait_dma2 semaphore(%run_scoped3A : memref<!tpu.dma_semaphore, #tpu.memory_space<semaphore_mem>>) src(%dma_wait3A_20 : memref<512xi32, #tpu.memory_space<hbm>>) dst(%arg5 : memref<512xi32, #tpu.memory_space<vmem>>)
      tpu.yield
    }) : () -> ()
    %dma_start3A = arith.constant 0 : i32
    %dma_start3A_3 = tpu.memref_slice %arg5[%dma_start3A] : memref<512xi32, #tpu.memory_space<vmem>> -> memref<32xi32, #tpu.memory_space<vmem>>
    %dma_start3A_4 = arith.constant 0 : i32
    %dma_start3A_5 = arith.constant 0 : i32
    %dma_start3A_6 = tpu.memref_slice %arg3[%dma_start3A_4, %dma_start3A_5] : memref<100000x1024xf32, #tpu.memory_space<hbm>> -> memref<100000x1024xf32, #tpu.memory_space<hbm>>
    tpu.enqueue_indirect_dma source(%dma_start3A_6 : memref<100000x1024xf32, #tpu.memory_space<hbm>>) target(%arg6 : memref<32x1024xf32, #tpu.memory_space<vmem>>) offsets(%dma_start3A_3 : memref<32xi32, #tpu.memory_space<vmem>>) semaphore(%arg8 : memref<!tpu.dma_semaphore, #tpu.memory_space<semaphore_mem>>)
    %dma_start3A_7 = arith.constant 32 : i32
    %dma_start3A_8 = tpu.memref_slice %arg5[%dma_start3A_7] : memref<512xi32, #tpu.memory_space<vmem>> -> memref<32xi32, #tpu.memory_space<vmem>>
    %dma_start3A_9 = arith.constant 0 : i32
    %dma_start3A_10 = arith.constant 0 : i32
    %dma_start3A_11 = tpu.memref_slice %arg3[%dma_start3A_9, %dma_start3A_10] : memref<100000x1024xf32, #tpu.memory_space<hbm>> -> memref<100000x1024xf32, #tpu.memory_space<hbm>>
    tpu.enqueue_indirect_dma source(%dma_start3A_11 : memref<100000x1024xf32, #tpu.memory_space<hbm>>) target(%arg7 : memref<32x1024xf32, #tpu.memory_space<vmem>>) offsets(%dma_start3A_8 : memref<32xi32, #tpu.memory_space<vmem>>) semaphore(%arg9 : memref<!tpu.dma_semaphore, #tpu.memory_space<semaphore_mem>>)
    %scan3A = arith.constant 0 : i32
    %scan3A_12 = arith.constant 0 : i32
    %scan3A_13 = arith.constant 8 : i32
    %scan3A_14 = arith.addi %scan3A_12, %scan3A_13 : i32
    %scan3A_15 = arith.constant 1 : i32
    %scan3A_16 = scf.for %scan3A_18 = %scan3A_12 to %scan3A_14 step %scan3A_15 iter_args(%scan3A_19 = %scan3A) -> (i32)  : i32 {
      %mul3A_20 = arith.constant 2 : i32
      %mul3A_21 = arith.muli %scan3A_18, %mul3A_20 : i32
      %add3A_22 = arith.constant 0 : i32
      %add3A_23 = arith.addi %mul3A_21, %add3A_22 : i32
      %mul3A_24 = arith.constant 32 : i32
      %mul3A_25 = arith.muli %add3A_23, %mul3A_24 : i32
      %dma_wait3A = tpu.memref_slice %arg5[%mul3A_25] : memref<512xi32, #tpu.memory_space<vmem>> -> memref<32xi32, #tpu.memory_space<vmem>>
      %dma_wait3A_26 = arith.constant 0 : i32
      %dma_wait3A_27 = arith.constant 0 : i32
      %dma_wait3A_28 = tpu.memref_slice %arg3[%dma_wait3A_26, %dma_wait3A_27] : memref<100000x1024xf32, #tpu.memory_space<hbm>> -> memref<100000x1024xf32, #tpu.memory_space<hbm>>
      tpu.wait_indirect_dma semaphore(%arg8 : memref<!tpu.dma_semaphore, #tpu.memory_space<semaphore_mem>>) src(%dma_wait3A_28 : memref<100000x1024xf32, #tpu.memory_space<hbm>>) dst(%arg6 : memref<32x1024xf32, #tpu.memory_space<vmem>>)
      %mul3A_29 = arith.constant 32 : i32
      %mul3A_30 = arith.muli %add3A_23, %mul3A_29 : i32
      %add3A_31 = arith.addi %mul3A_2, %mul3A_30 : i32
      %dma_start3A_32 = arith.constant 0 : i32
      %dma_start3A_33 = tpu.memref_slice %arg4[%add3A_31, %dma_start3A_32] : memref<16384x1024xf32, #tpu.memory_space<hbm>> -> memref<32x1024xf32, #tpu.memory_space<hbm>>
      %dma_start3A_34 = arith.constant 0 : i32
      %dma_start3A_35 = tpu.memref_slice %arg4[%add3A_31, %dma_start3A_34] : memref<16384x1024xf32, #tpu.memory_space<hbm>> -> memref<32x1024xf32, #tpu.memory_space<hbm>>
      tpu.enqueue_dma source(%arg6 : memref<32x1024xf32, #tpu.memory_space<vmem>>) target(%dma_start3A_35 : memref<32x1024xf32, #tpu.memory_space<hbm>>) target_semaphore(%arg10 : memref<!tpu.dma_semaphore, #tpu.memory_space<semaphore_mem>>)
      %dma_wait3A_36 = arith.constant 0 : i32
      %dma_wait3A_37 = tpu.memref_slice %arg4[%add3A_31, %dma_wait3A_36] : memref<16384x1024xf32, #tpu.memory_space<hbm>> -> memref<32x1024xf32, #tpu.memory_space<hbm>>
      %dma_wait3A_38 = arith.constant 0 : i32
      %dma_wait3A_39 = tpu.memref_slice %arg4[%add3A_31, %dma_wait3A_38] : memref<16384x1024xf32, #tpu.memory_space<hbm>> -> memref<32x1024xf32, #tpu.memory_space<hbm>>
      tpu.wait_dma2 semaphore(%arg10 : memref<!tpu.dma_semaphore, #tpu.memory_space<semaphore_mem>>) src(%arg6 : memref<32x1024xf32, #tpu.memory_space<vmem>>) dst(%dma_wait3A_39 : memref<32x1024xf32, #tpu.memory_space<hbm>>)
      %add3A_40 = arith.constant 2 : i32
      %add3A_41 = arith.addi %add3A_23, %add3A_40 : i32
      %lt3A = arith.constant 16 : i32
      %lt3A_42 = arith.cmpi slt, %add3A_41, %lt3A : i32
      %convert_element_type3A = arith.extui %lt3A_42 : i1 to i32
      %cond3A = arith.constant 0 : i32
      %cond3A_43 = arith.cmpi ne, %convert_element_type3A, %cond3A : i32
      scf.if %cond3A_43 {
        %add3A_73 = arith.constant 2 : i32
        %add3A_74 = arith.addi %add3A_23, %add3A_73 : i32
        %mul3A_75 = arith.constant 32 : i32
        %mul3A_76 = arith.muli %add3A_74, %mul3A_75 : i32
        %dma_start3A_77 = tpu.memref_slice %arg5[%mul3A_76] : memref<512xi32, #tpu.memory_space<vmem>> -> memref<32xi32, #tpu.memory_space<vmem>>
        %dma_start3A_78 = arith.constant 0 : i32
        %dma_start3A_79 = arith.constant 0 : i32
        %dma_start3A_80 = tpu.memref_slice %arg3[%dma_start3A_78, %dma_start3A_79] : memref<100000x1024xf32, #tpu.memory_space<hbm>> -> memref<100000x1024xf32, #tpu.memory_space<hbm>>
        tpu.enqueue_indirect_dma source(%dma_start3A_80 : memref<100000x1024xf32, #tpu.memory_space<hbm>>) target(%arg6 : memref<32x1024xf32, #tpu.memory_space<vmem>>) offsets(%dma_start3A_77 : memref<32xi32, #tpu.memory_space<vmem>>) semaphore(%arg8 : memref<!tpu.dma_semaphore, #tpu.memory_space<semaphore_mem>>)
      } else {
      }
      %mul3A_44 = arith.constant 2 : i32
      %mul3A_45 = arith.muli %scan3A_18, %mul3A_44 : i32
      %add3A_46 = arith.constant 1 : i32
      %add3A_47 = arith.addi %mul3A_45, %add3A_46 : i32
      %mul3A_48 = arith.constant 32 : i32
      %mul3A_49 = arith.muli %add3A_47, %mul3A_48 : i32
      %dma_wait3A_50 = tpu.memref_slice %arg5[%mul3A_49] : memref<512xi32, #tpu.memory_space<vmem>> -> memref<32xi32, #tpu.memory_space<vmem>>
      %dma_wait3A_51 = arith.constant 0 : i32
      %dma_wait3A_52 = arith.constant 0 : i32
      %dma_wait3A_53 = tpu.memref_slice %arg3[%dma_wait3A_51, %dma_wait3A_52] : memref<100000x1024xf32, #tpu.memory_space<hbm>> -> memref<100000x1024xf32, #tpu.memory_space<hbm>>
      tpu.wait_indirect_dma semaphore(%arg9 : memref<!tpu.dma_semaphore, #tpu.memory_space<semaphore_mem>>) src(%dma_wait3A_53 : memref<100000x1024xf32, #tpu.memory_space<hbm>>) dst(%arg7 : memref<32x1024xf32, #tpu.memory_space<vmem>>)
      %mul3A_54 = arith.constant 32 : i32
      %mul3A_55 = arith.muli %add3A_47, %mul3A_54 : i32
      %add3A_56 = arith.addi %mul3A_2, %mul3A_55 : i32
      %dma_start3A_57 = arith.constant 0 : i32
      %dma_start3A_58 = tpu.memref_slice %arg4[%add3A_56, %dma_start3A_57] : memref<16384x1024xf32, #tpu.memory_space<hbm>> -> memref<32x1024xf32, #tpu.memory_space<hbm>>
      %dma_start3A_59 = arith.constant 0 : i32
      %dma_start3A_60 = tpu.memref_slice %arg4[%add3A_56, %dma_start3A_59] : memref<16384x1024xf32, #tpu.memory_space<hbm>> -> memref<32x1024xf32, #tpu.memory_space<hbm>>
      tpu.enqueue_dma source(%arg7 : memref<32x1024xf32, #tpu.memory_space<vmem>>) target(%dma_start3A_60 : memref<32x1024xf32, #tpu.memory_space<hbm>>) target_semaphore(%arg11 : memref<!tpu.dma_semaphore, #tpu.memory_space<semaphore_mem>>)
      %dma_wait3A_61 = arith.constant 0 : i32
      %dma_wait3A_62 = tpu.memref_slice %arg4[%add3A_56, %dma_wait3A_61] : memref<16384x1024xf32, #tpu.memory_space<hbm>> -> memref<32x1024xf32, #tpu.memory_space<hbm>>
      %dma_wait3A_63 = arith.constant 0 : i32
      %dma_wait3A_64 = tpu.memref_slice %arg4[%add3A_56, %dma_wait3A_63] : memref<16384x1024xf32, #tpu.memory_space<hbm>> -> memref<32x1024xf32, #tpu.memory_space<hbm>>
      tpu.wait_dma2 semaphore(%arg11 : memref<!tpu.dma_semaphore, #tpu.memory_space<semaphore_mem>>) src(%arg7 : memref<32x1024xf32, #tpu.memory_space<vmem>>) dst(%dma_wait3A_64 : memref<32x1024xf32, #tpu.memory_space<hbm>>)
      %add3A_65 = arith.constant 2 : i32
      %add3A_66 = arith.addi %add3A_47, %add3A_65 : i32
      %lt3A_67 = arith.constant 16 : i32
      %lt3A_68 = arith.cmpi slt, %add3A_66, %lt3A_67 : i32
      %convert_element_type3A_69 = arith.extui %lt3A_68 : i1 to i32
      %cond3A_70 = arith.constant 0 : i32
      %cond3A_71 = arith.cmpi ne, %convert_element_type3A_69, %cond3A_70 : i32
      scf.if %cond3A_71 {
        %add3A_73 = arith.constant 2 : i32
        %add3A_74 = arith.addi %add3A_47, %add3A_73 : i32
        %mul3A_75 = arith.constant 32 : i32
        %mul3A_76 = arith.muli %add3A_74, %mul3A_75 : i32
        %dma_start3A_77 = tpu.memref_slice %arg5[%mul3A_76] : memref<512xi32, #tpu.memory_space<vmem>> -> memref<32xi32, #tpu.memory_space<vmem>>
        %dma_start3A_78 = arith.constant 0 : i32
        %dma_start3A_79 = arith.constant 0 : i32
        %dma_start3A_80 = tpu.memref_slice %arg3[%dma_start3A_78, %dma_start3A_79] : memref<100000x1024xf32, #tpu.memory_space<hbm>> -> memref<100000x1024xf32, #tpu.memory_space<hbm>>
        tpu.enqueue_indirect_dma source(%dma_start3A_80 : memref<100000x1024xf32, #tpu.memory_space<hbm>>) target(%arg7 : memref<32x1024xf32, #tpu.memory_space<vmem>>) offsets(%dma_start3A_77 : memref<32xi32, #tpu.memory_space<vmem>>) semaphore(%arg9 : memref<!tpu.dma_semaphore, #tpu.memory_space<semaphore_mem>>)
      } else {
      }
      %scan3A_72 = arith.constant 0 : i32
      scf.yield %scan3A_72 : i32
    }
    %scan3A_17 = arith.constant 8 : i32
    return
  }
}

module attributes {stable_mosaic.version = 14 : i64} {
  func.func @ln_body(%arg0: i32, %arg1: memref<1024x1024xf32, #tpu.memory_space<vmem>>, %arg2: memref<1x1024xf32, #tpu.memory_space<vmem>>, %arg3: memref<1x1024xf32, #tpu.memory_space<vmem>>, %arg4: memref<1024x1024xf32, #tpu.memory_space<vmem>>) attributes {dimension_semantics = [#tpu.dimension_semantics<arbitrary>], iteration_bounds = array<i64: 16>, scalar_prefetch = 0 : i64, scratch_operands = 0 : i64, tpu.core_type = #tpu.core_type<tc>, window_params = [{transform_indices = @transform_0, window_bounds = array<i64: 1024, 1024>}, {pipeline_mode = #tpu.pipeline_mode<synchronous>, transform_indices = @transform_1, window_bounds = array<i64: 1, 1024>}, {pipeline_mode = #tpu.pipeline_mode<synchronous>, transform_indices = @transform_2, window_bounds = array<i64: 1, 1024>}, {transform_indices = @transform_3, window_bounds = array<i64: 1024, 1024>}]} {
    %get3A = arith.constant 0 : index
    %get3A_0 = arith.constant 0 : index
    %get3A_1 = vector.load %arg1[%get3A, %get3A_0] : memref<1024x1024xf32, #tpu.memory_space<vmem>>, vector<1024x1024xf32>
    %reduce_sum3A = arith.constant dense<0.000000e+00> : vector<1024xf32>
    %reduce_sum3A_2 = vector.multi_reduction <add>, %get3A_1, %reduce_sum3A [1] : vector<1024x1024xf32> to vector<1024xf32>
    %broadcast_in_dim3A = vector.shape_cast %reduce_sum3A_2 : vector<1024xf32> to vector<1024x1xf32>
    %div3A = arith.constant 1.024000e+03 : f32
    %div3A_3 = vector.broadcast %div3A : f32 to vector<1024x1xf32>
    %div3A_4 = arith.divf %broadcast_in_dim3A, %div3A_3 : vector<1024x1xf32>
    %mul3A = arith.mulf %get3A_1, %get3A_1 : vector<1024x1024xf32>
    %reduce_sum3A_5 = arith.constant dense<0.000000e+00> : vector<1024xf32>
    %reduce_sum3A_6 = vector.multi_reduction <add>, %mul3A, %reduce_sum3A_5 [1] : vector<1024x1024xf32> to vector<1024xf32>
    %broadcast_in_dim3A_7 = vector.shape_cast %reduce_sum3A_6 : vector<1024xf32> to vector<1024x1xf32>
    %div3A_8 = arith.constant 1.024000e+03 : f32
    %div3A_9 = vector.broadcast %div3A_8 : f32 to vector<1024x1xf32>
    %div3A_10 = arith.divf %broadcast_in_dim3A_7, %div3A_9 : vector<1024x1xf32>
    %mul3A_11 = arith.mulf %div3A_4, %div3A_4 : vector<1024x1xf32>
    %sub3A = arith.subf %div3A_10, %mul3A_11 : vector<1024x1xf32>
    %add3A = arith.constant 9.99999974E-6 : f32
    %add3A_12 = vector.broadcast %add3A : f32 to vector<1024x1xf32>
    %add3A_13 = arith.addf %sub3A, %add3A_12 : vector<1024x1xf32>
    %rsqrt3A = math.rsqrt %add3A_13 : vector<1024x1xf32>
    %sub3A_14 = vector.broadcast %div3A_4 : vector<1024x1xf32> to vector<1024x1024xf32>
    %sub3A_15 = arith.subf %get3A_1, %sub3A_14 : vector<1024x1024xf32>
    %mul3A_16 = vector.broadcast %rsqrt3A : vector<1024x1xf32> to vector<1024x1024xf32>
    %mul3A_17 = arith.mulf %sub3A_15, %mul3A_16 : vector<1024x1024xf32>
    %get3A_18 = arith.constant 0 : index
    %get3A_19 = arith.constant 0 : index
    %get3A_20 = vector.load %arg2[%get3A_18, %get3A_19] : memref<1x1024xf32, #tpu.memory_space<vmem>>, vector<1x1024xf32>
    %mul3A_21 = vector.broadcast %get3A_20 : vector<1x1024xf32> to vector<1024x1024xf32>
    %mul3A_22 = arith.mulf %mul3A_17, %mul3A_21 : vector<1024x1024xf32>
    %get3A_23 = arith.constant 0 : index
    %get3A_24 = arith.constant 0 : index
    %get3A_25 = vector.load %arg3[%get3A_23, %get3A_24] : memref<1x1024xf32, #tpu.memory_space<vmem>>, vector<1x1024xf32>
    %add3A_26 = vector.broadcast %get3A_25 : vector<1x1024xf32> to vector<1024x1024xf32>
    %add3A_27 = arith.addf %mul3A_22, %add3A_26 : vector<1024x1024xf32>
    %swap3A = arith.constant 0 : index
    %swap3A_28 = arith.constant 0 : index
    %swap3A_29 = vector.load %arg4[%swap3A, %swap3A_28] : memref<1024x1024xf32, #tpu.memory_space<vmem>>, vector<1024x1024xf32>
    tpu.vector_store %arg4[%swap3A, %swap3A_28], %add3A_27 {strides = array<i32>} : memref<1024x1024xf32, #tpu.memory_space<vmem>>, vector<1024x1024xf32>,
    return
  }
  func.func @transform_0(%arg0: i32) -> (i32, i32) {
    %c0_i32 = arith.constant 0 : i32
    %c0_i32_0 = arith.constant 0 : i32
    return %arg0, %c0_i32 : i32, i32
  }
  func.func @transform_1(%arg0: i32) -> (i32, i32) {
    %c0_i32 = arith.constant 0 : i32
    %c0_i32_0 = arith.constant 0 : i32
    %c0_i32_1 = arith.constant 0 : i32
    return %c0_i32, %c0_i32_0 : i32, i32
  }
  func.func @transform_2(%arg0: i32) -> (i32, i32) {
    %c0_i32 = arith.constant 0 : i32
    %c0_i32_0 = arith.constant 0 : i32
    %c0_i32_1 = arith.constant 0 : i32
    return %c0_i32, %c0_i32_0 : i32, i32
  }
  func.func @transform_3(%arg0: i32) -> (i32, i32) {
    %c0_i32 = arith.constant 0 : i32
    %c0_i32_0 = arith.constant 0 : i32
    return %arg0, %c0_i32 : i32, i32
  }
}

</mosaic_0001>

<sc_bundles>
// kernel: kernel.6.cloned.1.call-start
scs
__scs_entry_jumppad:
0x0: {  	(pc) =	sbr.rel $0x88, $3  }
0x1: {  	(tag) =	ssettag $0x0;
	lr =	simm.s32 $0x1  }
0x2: {  	[smem:$0x3F9D] =	sst lr;
	_ =	strace $0xD0000000  }
0x3: {  	_ = 	snop  }
0x4: {  	_ = 	snop  }
0x5: {  	_ = 	snop  }
0x6: {  	_ = 	snop  }
0x7: {  	_ = 	snop  }
__scs_overlays_trampoline_lowered:
0x8: {  	[smem:$0x3FAC] =	sst s0  }
0x9: {  	[smem:$0x3FAD] =	sst s1  }
0xa: {  	[smem:$0x3FAE] =	sst s2  }
0xb: {  	[smem:$0x3FAF] =	sst s3  }
0xc: {  	[smem:$0x3FB0] =	sst s4  }
0xd: {  	[smem:$0x3FB1] =	sst s5  }
0xe: {  	[smem:$0x3FB2] =	sst s6  }
0xf: {  	[smem:$0x3FB3] =	sst s7  }
0x10: {  	[smem:$0x3FB4] =	sst s8  }
0x11: {  	[smem:$0x3FB5] =	sst s9;
	s0 =	simm.s32 @!p0 $0x0  }
0x12: {  	s1 =	sld [smem:$0x3F9B];
	s0 =	simm.s32 @p0 $0x1  }
0x13: {  	[smem:$0x3FB6] =	sst s0;
	s0 =	simm.s32 @!p1 $0x0  }
0x14: {  	s2 =	sld [smem:$0x3F9A];
	s0 =	simm.s32 @p1 $0x1  }
0x15: {  	[smem:$0x3FB7] =	sst s0;
	s0 =	simm.s32 @!p2 $0x0  }
0x16: {  	s3 =	sld [smem:$0x3FDB];
	s0 =	simm.s32 @p2 $0x1  }
0x17: {  	s4 =	simm.s32 $0x1BF5;
	[smem:$0x3FB9] =	sst s0  }
0x18: {  	s0 =	sld [smem:$0x3F9C];
	_ =	swait.ge [sflag:s4], $0x0  }
0x19: {  	s7 =	sld [smem:$0x3F9D]  }
0x1a: {  	s8 =	sadd.s32 $0xFFFFE003, lr  }
0x1b: {  	s9 =	sadd.s32 $0xFFFFFEF7, lr;
	s5 =	simm.s32 $0xFFFFFFFF;
	p2 =	slt.u32 s8, $0xFFFFF086  }
0x1c: {  	p1 =	slt.u32 s9, $0xF7A;
	s5 =	simm.s32 @!p2 $0x0  }
0x1d: {  	s5 =	simm.s32 @p1 $0x1;
	p0 =	seq.s32 s7, s2  }
0x1e: {  	s7 =	smul.u32 @!p0 $0xF7A, s2;
	p2 =	seq.s32 @!p0 s5, $0x0  }
0x1f: {  	s9 =	smul.u32 $0xF7A, s1;
	s8 =	simm.s32 @!p0 $0x1BF5;
	p2 =	por !p2, p0  }
0x20: {  	[sflag:s8] =	ssyncset.s32 @!p0 $0xFFFFF086;
	s6 =	sadd.s32 @!p0 s3, s7;
	s7 =	simm.s32 @!p0 $0x108  }
0x21: {  	s3 =	sadd.s32 s3, s9;
	s6 =	sadd.s32 @!p0 $0x88, s6;
	s7 =	simm.s32 @p2 $0x1082  }
0x22: {  	[simem:s7], [sflag:s8] =	dma.local @!p0 [hbm:s6], $0xF7A  }
0x23: {  	s9 =	sor.u32 $0xD0000000, s2;
	s6 =	simm.s32 $0x108;
	_ =	swait.ge @!p0 [sflag:s8], $0x0  }
0x24: {  	s3 =	sadd.s32 $0x88, s3;
	s6 =	simm.s32 @!p1 $0x1082;
	[sflag:s4] =	ssyncset.s32 $0xFFFFF086  }
0x25: {  	[simem:s6], [sflag:s4] =	dma.local [hbm:s3], $0xF7A  }
0x26: {  	[smem:$0x3F9D] =	sst s1;
	(tag) =	ssettag s2;
	_ =	strace s9  }
0x27: {  	s1 =	sld [smem:$0x3FAD]  }
0x28: {  	s2 =	sld [smem:$0x3FAE]  }
0x29: {  	s4 =	sld [smem:$0x3FB0]  }
0x2a: {  	p0 =	seq.s32 s5, $0x0;
	s5 =	sld [smem:$0x3FB1]  }
0x2b: {  	s6 =	sld [smem:$0x3FB2]  }
0x2c: {  	s7 =	sld [smem:$0x3FB3]  }
0x2d: {  	s3 =	simm.s32 $0x108;
	s8 =	sld [smem:$0x3FB4]  }
0x2e: {  	s3 =	simm.s32 @!p0 $0x1082;
	s9 =	sld [smem:$0x3FB5]  }
0x2f: {  	lr =	sadd.s32 s0, s3;
	s0 =	sld [smem:$0x3FAC]  }
0x30: {  	s3 =	sld [smem:$0x3FAF]  }
0x31: {  	[smem:$0x3FB8] =	sst s10  }
0x32: {  	s10 =	sld [smem:$0x3FB6];
	_ =	sdelay $0x3  }
0x33: {  	p0 =	seq.s32 s10, $0x1;
	s10 =	sld [smem:$0x3FB8];
	_ =	sdelay $0x3  }
0x34: {  	[smem:$0x3FB8] =	sst s10  }
0x35: {  	s10 =	sld [smem:$0x3FB7];
	_ =	sdelay $0x3  }
0x36: {  	p1 =	seq.s32 s10, $0x1;
	s10 =	sld [smem:$0x3FB8];
	_ =	sdelay $0x3  }
0x37: {  	[smem:$0x3FB8] =	sst s10  }
0x38: {  	s10 =	sld [smem:$0x3FB9]  }
0x39: {  	_ = 	snop;
	(pc) =	sbr.ind lr, $3  }
0x3a: {  	_ = 	snop  }
0x3b: {  	_ = 	snop  }
0x3c: {  	p2 =	seq.s32 s10, $0x1;
	s10 =	sld [smem:$0x3FB8]  }
0x3d: {  	_ =	shalt  }
0x3e: {  	_ =	shalt  }
0x3f: {  	_ =	shalt  }
0x40: {  	_ =	shalt  }
0x41: {  	_ =	shalt  }
0x42: {  	_ =	shalt  }
0x43: {  	_ =	shalt  }
0x44: {  	_ =	shalt  }
0x45: {  	_ =	shalt  }
0x46: {  	_ =	shalt  }
0x47: {  	_ =	shalt  }
0x48: {  	_ =	shalt  }
0x49: {  	_ =	shalt  }
0x4a: {  	_ =	shalt  }
0x4b: {  	_ =	shalt  }
0x4c: {  	_ =	shalt  }
0x4d: {  	_ =	shalt  }
0x4e: {  	_ =	shalt  }
0x4f: {  	_ =	shalt  }
0x50: {  	_ =	shalt  }
0x51: {  	_ =	shalt  }
0x52: {  	_ =	shalt  }
0x53: {  	_ =	shalt  }
0x54: {  	_ =	shalt  }
0x55: {  	_ =	shalt  }
0x56: {  	_ =	shalt  }
0x57: {  	_ =	shalt  }
0x58: {  	_ =	shalt  }
0x59: {  	_ =	shalt  }
0x5a: {  	_ =	shalt  }
0x5b: {  	_ =	shalt  }
0x5c: {  	_ =	shalt  }
0x5d: {  	_ =	shalt  }
0x5e: {  	_ =	shalt  }
0x5f: {  	_ =	shalt  }
0x60: {  	_ =	shalt  }
0x61: {  	_ =	shalt  }
0x62: {  	_ =	shalt  }
0x63: {  	_ =	shalt  }
0x64: {  	_ =	shalt  }
0x65: {  	_ =	shalt  }
0x66: {  	_ =	shalt  }
0x67: {  	_ =	shalt  }
0x68: {  	_ =	shalt  }
0x69: {  	_ =	shalt  }
0x6a: {  	_ =	shalt  }
0x6b: {  	_ =	shalt  }
0x6c: {  	_ =	shalt  }
0x6d: {  	_ =	shalt  }
0x6e: {  	_ =	shalt  }
0x6f: {  	_ =	shalt  }
0x70: {  	_ =	shalt  }
0x71: {  	_ =	shalt  }
0x72: {  	_ =	shalt  }
0x73: {  	_ =	shalt  }
0x74: {  	_ =	shalt  }
0x75: {  	_ =	shalt  }
0x76: {  	_ =	shalt  }
0x77: {  	_ =	shalt  }
0x78: {  	_ =	shalt  }
0x79: {  	_ =	shalt  }
0x7a: {  	_ =	shalt  }
0x7b: {  	_ =	shalt  }
0x7c: {  	_ =	shalt  }
0x7d: {  	_ =	shalt  }
0x7e: {  	_ =	shalt  }
0x7f: {  	_ =	shalt  }
0x80: {  	_ =	shalt  }
0x81: {  	_ =	shalt  }
0x82: {  	_ =	shalt  }
0x83: {  	_ =	shalt  }
0x84: {  	_ =	shalt  }
0x85: {  	_ =	shalt  }
0x86: {  	_ =	shalt  }
0x87: {  	_ =	shalt  }
.Lfunc_end0:
.L_simem_size_0:
called_computation_lowered:
.L_overlay_start_0:
0x88: {  	s2 =	sld [smem:$0x3FD9]  }
0x89: {  	s3 =	sld [smem:$0x3FFE];
	_ =	sdelay $0x1  }
0x8a: {  	s1 =	srdreg.scid  }
0x8b: {  	s0 =	sand.u32 $0x1, s1  }
0x8c: {  	s17 =	sshll.u32 s0, $0xA;
	s2 =	sadd.s32 s3, s2  }
0x8d: {  	s2 =	sadd.s32 s2, s17  }
0x8e: {  	[smem:$0x3FC4] =	sst s2  }
0x8f: {  	_ = 	snop  }
0x90: {  	s18 =	sld [smem:$0x3FC8]  }
0x91: {  	s4 =	sld [smem:$0x3FD0];
	(tm) =	ssettm $0x1  }
0x92: {  	s19 =	sld [smem:$0x3FFB];
	_ =	sdelay $0x3  }
0x93: {  	_ =	strace s19  }
0x94: {  	s2 =	sld [smem:$0x3FFC];
	_ =	sdelay $0x3  }
0x95: {  	_ =	strace s2  }
0x96: {  	s2 =	sld [smem:$0x3FFD];
	_ =	sdelay $0x3  }
0x97: {  	_ =	strace s2  }
0x98: {  	_ =	strace $0x8FFFFFFF  }
0x99: {  	s20 =	sld [smem:$0x3FDB];
	_ =	sdelay $0x1  }
0x9a: {  	s5 =	simm.s32 $_scs_section_size  }
0x9b: {  	s6 =	simm.s32 $_size__tile_overlayer_lowered;
	s7 =	simm.s32 $_tile_overlayer_lowered  }
0x9c: {  	s8 =	simm.s32 $0x1BFF;
	s21 =	sshll.u32 s7, $0x1;
	s5 =	sadd.s32 s5, s20  }
0x9d: {  	s22 =	simm.s32 $0x0;
	s6 =	sshll.u32 s6, $0x1;
	s7 =	sadd.s32 s21, s5  }
0x9e: {  	[timem:s22], [sflag:s8] =	dma.local [hbm:s7], s6  }
0x9f: {  	_ =	swait.ge [sflag:s8], s6  }
0xa0: {  	s6 =	ssub.s32 $0x0, s6;
	[sflag:s8] =	ssyncset.done $0x0  }
0xa1: {  	[sflag:s8] =	ssyncadd.s32 s6;
	_ =	sdelay $0x1  }
0xa2: {  	s23 =	simm.s32 $0x1B8B  }
0xa3: {  	_ =	swait.ge [sflag:s23], $0x1  }
0xa4: {  	[sflag:s23] =	ssyncset.done $0x0  }
0xa5: {  	[sflag:s23] =	ssyncadd.s32 $0xFFFFFFFF  }
0xa6: {  	s6 =	sld [smem:$0x0]  }
0xa7: {  	s7 =	sand.u32 $0xFFFFFFFE, s1  }
0xa8: {  	p0 =	sne.s32 s1, s7  }
0xa9: {  	s7 =	sshll.u32 @p0 s7, $0xE  }
0xaa: {  	s7 =	sadd.s32 @p0 $0x11B8D, s7;
	s8 =	sshll.u32 @p0 s6, $0x11  }
0xab: {  	s7 =	sor.u32 @p0 s8, s7  }
0xac: {  	[sflag:s7] =	ssyncadd.remote.s32 @p0 $0x1;
	_ =	sdelay $0x1  }
0xad: {  	s7 =	simm.s32 @p0 $0x1B8D  }
0xae: {  	_ =	swait.eq @p0 [sflag:s7], $0x1  }
0xaf: {  	[sflag:s7] =	ssyncadd.s32 @p0 $0xFFFFFFFF  }
0xb0: {  	s8 =	sshll.u32 @!p0 s1, $0xE  }
0xb1: {  	s8 =	sor.u32 @!p0 $0x4000, s8;
	s7 =	simm.s32 @!p0 $0x1B8D  }
0xb2: {  	s6 =	sshll.u32 @!p0 s6, $0x11;
	s8 =	sadd.s32 @!p0 $0x11B8D, s8;
	_ =	swait.eq @!p0 [sflag:s7], $0x1  }
0xb3: {  	s6 =	sor.u32 @!p0 s6, s8;
	[sflag:s7] =	ssyncadd.s32 @!p0 $0xFFFFFFFF  }
0xb4: {  	s25 =	simm.s32 $0x1B8E;
	s24 =	sld [smem:$0x3FFE];
	[sflag:s6] =	ssyncadd.remote.s32 @!p0 $0x1  }
0xb5: {  	s26 =	simm.s32 $execute0_lowered;
	[smem:$0x3FD2] =	sst s25  }
0xb6: {  	s7 =	sshll.u32 s26, $0x1;
	_ =	strace $0x80000049;
	[dreg:$0x1] =	wrdreg $0xFFFFFFFF  }
0xb7: {  	s28 =	simm.s32 $_size_execute0_lowered;
	s5 =	sadd.s32 s5, s7;
	[dreg:$0x0] =	wrdreg $0x0  }
0xb8: {  	s7 =	sshll.u32 s28, $0x1;
	[dreg:$0x2] =	wrdreg s5  }
0xb9: {  	[dreg:$0x3] =	wrdreg s7  }
0xba: {  	[dreg:$0x4] =	wrdreg $0xC0  }
0xbb: {  	_ =	task [dreg:s22], $0x5FFFF  }
0xbc: {  	[dreg:$0x1] =	wrdreg $0xFFFFFFFF  }
0xbd: {  	[dreg:$0x0] =	wrdreg $0x60  }
0xbe: {  	[dreg:$0x2] =	wrdreg s24  }
0xbf: {  	[dreg:$0x3] =	wrdreg s18  }
0xc0: {  	[dreg:$0x4] =	wrdreg s4  }
0xc1: {  	[dreg:$0x5] =	wrdreg $0x9  }
0xc2: {  	_ =	task.clear_ibuf [dreg:s22], $0x6FFFF;
	_ =	strace $0x90000049  }
0xc3: {  	s29 =	simm.s32 $0x9;
	_ =	strace $0x8000004B  }
0xc4: {  	_ =	swait.ge [sflag:s29], $0x1  }
0xc5: {  	[sflag:s29] =	ssyncadd.s32 $0xFFFFFFFF  }
0xc6: {  	_ =	strace $0x9000004B  }
0xc7: {  	_ =	sfence  }
0xc8: {  	s30 =	sld [smem:$0x0];
	_ =	sdelay $0x2  }
0xc9: {  	s31 =	sshll.u32 s1, $0xD;
	s1 =	sshrl.u32 s1, $0x2  }
0xca: {  	s4 =	sand.u32 $0x4000, s31;
	s1 =	sadd.s32 s1, s30  }
0xcb: {  	s0 =	sor.u32 s4, s0;
	s1 =	sshll.u32 s1, $0x11  }
0xcc: {  	s0 =	sor.u32 s1, s0  }
0xcd: {  	s0 =	sadd.s32 $0x8F2B, s0  }
0xce: {  	[sflag:s0] =	ssyncadd.remote.s32 $0x1  }
0xcf: {  	_ =	sfence.sel $0xFFFF  }
0xd0: {  	[dreg:$0x0] =	wrdreg $0xFFFFFFFF;
	(pc) =	sbr.abs _section_cstart, $3  }
0xd1: {  	[dreg:$0x1] =	wrdreg $0xFFFFFFFF  }
0xd2: {  	_ =	task.clear_ibuf [dreg:s22], $0x2FFFF;
	_ =	strace $0x9FFFFFFF  }
0xd3: {  	(tm) =	ssettm $0x7FFFFFFF  }
tec
execute0_lowered:
.L_overlay_start_1:
0x0: {  	(tag) =	ssettag $0x1  }
0x1: {  	s0 =	rddreg [dreg:$0x0]  }
0x2: {  	s1 =	srdreg.scid;
	s2 =	rddreg [dreg:$0x1]  }
0x3: {  	s9 =	stileid.u32;
	s4 =	rddreg [dreg:$0x2]  }
0x4: {  	s3 =	simm.s32 $0x0;
	s28 =	simm.s32 $0x8200;
	s29 =	simm.s32 $0x8A00  }
0x5: {  	s30 =	simm.s32 $0x9200;
	s31 =	simm.s32 $0x9A00;
	s12 =	simm.s32 $0xB200  }
0x6: {  	s13 =	simm.s32 $0xBA00;
	s14 =	simm.s32 $0xC200;
	s15 =	simm.s32 $0xCA00  }
0x7: {  	s16 =	simm.s32 $0xD200;
	s17 =	simm.s32 $0xDA00;
	s18 =	simm.s32 $0xE200  }
0x8: {  	s19 =	simm.s32 $0xEA00;
	s20 =	simm.s32 $0xF200;
	s21 =	simm.s32 $0xFA00  }
0x9: {  	s22 =	simm.s32 $0x1;
	s23 =	simm.s32 $0x3;
	s1 =	sand.u32 $0x1, s1  }
0xa: {  	s5 =	sshll.u32 s9, $0xA;
	[smem:$0x7FF] =	sst s3;
	s7 =	sadd.s32 $0x300, s2  }
0xb: {  	s26 =	sshll.u32 s9, $0x11;
	s6 =	sshll.u32 s1, $0x9;
	s24 =	ssub.s32 $0x2, s1  }
0xc: {  	_ =	strace $0x8000004A;
	s1 =	sshll.u32 s1, $0x10;
	s5 =	sor.u32 s6, s5  }
0xd: {  	s25 =	sshrl.u32 s24, $0x1;
	s6 =	sadd.s32 $0x200, s2;
	s5 =	sshrl.u32 s5, $0x3  }
.Ltmp0:
0xe: {  	s8 =	ssub.s32 s24, s25;
	s24 =	simm.s32 $0x2;
	(pc) =	sbr.rel .LBB2_1-.Ltmp0, $4  }
0xf: {  	s25 =	simm.s32 $0x4;
	s0 =	sadd.s32 s5, s0;
	s8 =	smax.u32 s8, $0x1  }
0x10: {  	v2 =	vlaneseq.u32;
	s5 =	sadd.s32 $0x100, s2;
	s0 =	sadd.s32 $0x201600, s0;
	[dreg:$0x5] =	wrdreg s8  }
0x11: {  	vm0 =	vmmov $0xffff;
	v1 =	vshrl.u32 v2, $0x3;
	s8 =	simm.s32 $0x0;
	[dreg:$0x4] =	wrdreg s0;
	s0 =	sadd.s32 s26, s4  }
0x12: {  	v0 =	vand.u32 $0x7, v2;
	v2 =	vor.u32 $0x8, v2;
	v1 =	vmul.u32 $0x8, v1;
	s9 =	sadd.s32 s1, s0;
	s1 =	simm.s32 $0xA200;
	s0 =	simm.s32 $0xAA00  }
.LBB2_4:
0x13: {  	s8 =	rddreg [dreg:$0x6]  }
0x14: {  	s4 =	rddreg [dreg:$0x5];
	s8 =	sadd.s32 $0x1, s8  }
0x15: {  	p0 =	sne.s32 s8, s4  }
.Ltmp1:
0x16: {  	_ = 	snop;
	(pc) =	sbr.rel @!p0 .LBB2_5-.Ltmp1, $1  }
0x17: {  	_ =	sdelay $0x3  }
.LBB2_1:
0x18: {  	[dreg:$0x6] =	wrdreg s8  }
0x19: {  	s4 =	rddreg [dreg:$0x4];
	s26 =	simm.s32 $0x5  }
0x1a: {  	[tilespmem:s3], [sflag:$0x5] =	stream.linear.gather [hbm4b:s4+s3], $0x200, $0x38;
	[tilespmem:$0x10200] =	vst v63  }
0x1b: {  	_ =	swait.ge [sflag:s26], $0x200  }
0x1c: {  	[sflag:s26] =	ssyncset.done $0x0  }
0x1d: {  	[sflag:s26] =	ssyncadd.s32 $0xFFFFFE00  }
0x1e: {  	v3 =	vld [tilespmem:$0x0];
	_ =	sdelay $0x4  }
0x1f: {  	v4 =	vshll.u32 v3, $0x3  }
0x20: {  	v3 =	vand.u32 $0x7, v3;
	v4 =	vand.u32 $0xFFFFFFC0, v4  }
0x21: {  	v3 =	vor.u32 v3, v4  }
0x22: {  	v4 =	vperm.xlane v3, v0;
	_ =	sdelay $0x1  }
0x23: {  	v4 =	vadd.s32 v1, v4;
	_ =	sdelay $0x3  }
0x24: {  	s8 =	simm.s32 $0x200  }
0x25: {  	[tilespmem:s8], [sflag:$0x1] =	stream.indirect_vreg.gather [hbm4b:s2+s3], $0x80, v4, vm0, $0xb8;
	[tilespmem:$0x10200] =	vst v63  }
0x26: {  	s10 =	simm.s32 $0xA00;
	v3 =	vperm.xlane v3, v2  }
0x27: {  	[tilespmem:s10], [sflag:$0x1] =	stream.indirect_vreg.gather [hbm4b:s5+s3], $0x80, v4, vm0, $0xb8;
	[tilespmem:$0x10200] =	vst v63  }
0x28: {  	s11 =	simm.s32 $0x1200;
	v3 =	vadd.s32 v1, v3  }
0x29: {  	[tilespmem:s11], [sflag:$0x1] =	stream.indirect_vreg.gather [hbm4b:s6+s3], $0x80, v4, vm0, $0xb8;
	[tilespmem:$0x10200] =	vst v63  }
0x2a: {  	s26 =	simm.s32 $0x1A00  }
0x2b: {  	[tilespmem:s26], [sflag:$0x1] =	stream.indirect_vreg.gather [hbm4b:s7+s3], $0x80, v4, vm0, $0xb8;
	[tilespmem:$0x10200] =	vst v63  }
0x2c: {  	s8 =	simm.s32 $0x2200  }
0x2d: {  	[tilespmem:s8], [sflag:$0x1] =	stream.indirect_vreg.gather [hbm4b:s2+s3], $0x80, v3, vm0, $0xb8;
	[tilespmem:$0x10200] =	vst v63  }
0x2e: {  	s10 =	simm.s32 $0x2A00  }
0x2f: {  	[tilespmem:s10], [sflag:$0x1] =	stream.indirect_vreg.gather [hbm4b:s5+s3], $0x80, v3, vm0, $0xb8;
	[tilespmem:$0x10200] =	vst v63  }
0x30: {  	s11 =	simm.s32 $0x3200  }
0x31: {  	[tilespmem:s11], [sflag:$0x1] =	stream.indirect_vreg.gather [hbm4b:s6+s3], $0x80, v3, vm0, $0xb8;
	[tilespmem:$0x10200] =	vst v63  }
0x32: {  	s26 =	simm.s32 $0x3A00  }
0x33: {  	[tilespmem:s26], [sflag:$0x1] =	stream.indirect_vreg.gather [hbm4b:s7+s3], $0x80, v3, vm0, $0xb8;
	[tilespmem:$0x10200] =	vst v63  }
0x34: {  	v3 =	vld [tilespmem:$0x10];
	_ =	sdelay $0x4  }
0x35: {  	v61 =	vshll.u32 v3, $0x3  }
0x36: {  	v3 =	vand.u32 $0x7, v3;
	v4 =	vand.u32 $0xFFFFFFC0, v61  }
0x37: {  	v3 =	vor.u32 v3, v4  }
0x38: {  	v4 =	vperm.xlane v3, v0;
	_ =	sdelay $0x1  }
0x39: {  	v4 =	vadd.s32 v1, v4;
	_ =	sdelay $0x3  }
0x3a: {  	s8 =	simm.s32 $0x4200  }
0x3b: {  	[tilespmem:s8], [sflag:$0x1] =	stream.indirect_vreg.gather [hbm4b:s2+s3], $0x80, v4, vm0, $0xb8;
	[tilespmem:$0x10200] =	vst v63  }
0x3c: {  	s10 =	simm.s32 $0x4A00;
	v3 =	vperm.xlane v3, v2  }
0x3d: {  	[tilespmem:s10], [sflag:$0x1] =	stream.indirect_vreg.gather [hbm4b:s5+s3], $0x80, v4, vm0, $0xb8;
	[tilespmem:$0x10200] =	vst v63  }
0x3e: {  	s11 =	simm.s32 $0x5200;
	v3 =	vadd.s32 v1, v3  }
0x3f: {  	[tilespmem:s11], [sflag:$0x1] =	stream.indirect_vreg.gather [hbm4b:s6+s3], $0x80, v4, vm0, $0xb8;
	[tilespmem:$0x10200] =	vst v63  }
0x40: {  	s26 =	simm.s32 $0x5A00  }
0x41: {  	[tilespmem:s26], [sflag:$0x1] =	stream.indirect_vreg.gather [hbm4b:s7+s3], $0x80, v4, vm0, $0xb8;
	[tilespmem:$0x10200] =	vst v63  }
0x42: {  	s8 =	simm.s32 $0x6200  }
0x43: {  	[tilespmem:s8], [sflag:$0x1] =	stream.indirect_vreg.gather [hbm4b:s2+s3], $0x80, v3, vm0, $0xb8;
	[tilespmem:$0x10200] =	vst v63  }
0x44: {  	s10 =	simm.s32 $0x6A00  }
0x45: {  	[tilespmem:s10], [sflag:$0x1] =	stream.indirect_vreg.gather [hbm4b:s5+s3], $0x80, v3, vm0, $0xb8;
	[tilespmem:$0x10200] =	vst v63  }
0x46: {  	s11 =	simm.s32 $0x7200  }
0x47: {  	[tilespmem:s11], [sflag:$0x1] =	stream.indirect_vreg.gather [hbm4b:s6+s3], $0x80, v3, vm0, $0xb8;
	[tilespmem:$0x10200] =	vst v63  }
0x48: {  	s26 =	simm.s32 $0x7A00  }
0x49: {  	[tilespmem:s26], [sflag:$0x1] =	stream.indirect_vreg.gather [hbm4b:s7+s3], $0x80, v3, vm0, $0xb8;
	[tilespmem:$0x10200] =	vst v63  }
0x4a: {  	v3 =	vld [tilespmem:$0x20];
	_ =	sdelay $0x4  }
0x4b: {  	v62 =	vshll.u32 v3, $0x3  }
0x4c: {  	v3 =	vand.u32 $0x7, v3;
	v4 =	vand.u32 $0xFFFFFFC0, v62  }
0x4d: {  	v3 =	vor.u32 v3, v4  }
0x4e: {  	v4 =	vperm.xlane v3, v0;
	_ =	sdelay $0x1  }
0x4f: {  	v4 =	vadd.s32 v1, v4;
	_ =	sdelay $0x4  }
0x50: {  	[tilespmem:s28], [sflag:$0x2] =	stream.indirect_vreg.gather [hbm4b:s2+s3], $0x80, v4, vm0, $0xb8;
	[tilespmem:$0x10200] =	vst v63  }
0x51: {  	v3 =	vperm.xlane v3, v2  }
0x52: {  	[tilespmem:s29], [sflag:$0x2] =	stream.indirect_vreg.gather [hbm4b:s5+s3], $0x80, v4, vm0, $0xb8;
	[tilespmem:$0x10200] =	vst v63  }
0x53: {  	v3 =	vadd.s32 v1, v3  }
0x54: {  	[tilespmem:s30], [sflag:$0x2] =	stream.indirect_vreg.gather [hbm4b:s6+s3], $0x80, v4, vm0, $0xb8;
	[tilespmem:$0x10200] =	vst v63  }
0x55: {  	_ = 	snop  }
0x56: {  	[tilespmem:s31], [sflag:$0x2] =	stream.indirect_vreg.gather [hbm4b:s7+s3], $0x80, v4, vm0, $0xb8;
	[tilespmem:$0x10200] =	vst v63  }
0x57: {  	_ = 	snop  }
0x58: {  	[tilespmem:s1], [sflag:$0x2] =	stream.indirect_vreg.gather [hbm4b:s2+s3], $0x80, v3, vm0, $0xb8;
	[tilespmem:$0x10200] =	vst v63  }
0x59: {  	_ = 	snop  }
0x5a: {  	[tilespmem:s0], [sflag:$0x2] =	stream.indirect_vreg.gather [hbm4b:s5+s3], $0x80, v3, vm0, $0xb8;
	[tilespmem:$0x10200] =	vst v63  }
0x5b: {  	_ = 	snop  }
0x5c: {  	[tilespmem:s12], [sflag:$0x2] =	stream.indirect_vreg.gather [hbm4b:s6+s3], $0x80, v3, vm0, $0xb8;
	[tilespmem:$0x10200] =	vst v63  }
0x5d: {  	_ = 	snop  }
0x5e: {  	[tilespmem:s13], [sflag:$0x2] =	stream.indirect_vreg.gather [hbm4b:s7+s3], $0x80, v3, vm0, $0xb8;
	[tilespmem:$0x10200] =	vst v63  }
0x5f: {  	v3 =	vld [tilespmem:$0x30];
	_ =	sdelay $0x4  }
0x60: {  	v63 =	vshll.u32 v3, $0x3  }
0x61: {  	v3 =	vand.u32 $0x7, v3;
	v4 =	vand.u32 $0xFFFFFFC0, v63  }
0x62: {  	v3 =	vor.u32 v3, v4  }
0x63: {  	v4 =	vperm.xlane v3, v0;
	_ =	sdelay $0x1  }
0x64: {  	v4 =	vadd.s32 v1, v4;
	_ =	sdelay $0x4  }
0x65: {  	[tilespmem:s14], [sflag:$0x2] =	stream.indirect_vreg.gather [hbm4b:s2+s3], $0x80, v4, vm0, $0xb8;
	[tilespmem:$0x10200] =	vst v63  }
0x66: {  	v3 =	vperm.xlane v3, v2  }
0x67: {  	[tilespmem:s15], [sflag:$0x2] =	stream.indirect_vreg.gather [hbm4b:s5+s3], $0x80, v4, vm0, $0xb8;
	[tilespmem:$0x10200] =	vst v63  }
0x68: {  	v3 =	vadd.s32 v1, v3  }
0x69: {  	[tilespmem:s16], [sflag:$0x2] =	stream.indirect_vreg.gather [hbm4b:s6+s3], $0x80, v4, vm0, $0xb8;
	[tilespmem:$0x10200] =	vst v63  }
0x6a: {  	_ = 	snop  }
0x6b: {  	[tilespmem:s17], [sflag:$0x2] =	stream.indirect_vreg.gather [hbm4b:s7+s3], $0x80, v4, vm0, $0xb8;
	[tilespmem:$0x10200] =	vst v63  }
0x6c: {  	_ = 	snop  }
0x6d: {  	[tilespmem:s18], [sflag:$0x2] =	stream.indirect_vreg.gather [hbm4b:s2+s3], $0x80, v3, vm0, $0xb8;
	[tilespmem:$0x10200] =	vst v63  }
0x6e: {  	_ = 	snop  }
0x6f: {  	[tilespmem:s19], [sflag:$0x2] =	stream.indirect_vreg.gather [hbm4b:s5+s3], $0x80, v3, vm0, $0xb8;
	[tilespmem:$0x10200] =	vst v63  }
0x70: {  	_ = 	snop  }
0x71: {  	[tilespmem:s20], [sflag:$0x2] =	stream.indirect_vreg.gather [hbm4b:s6+s3], $0x80, v3, vm0, $0xb8;
	[tilespmem:$0x10200] =	vst v63  }
0x72: {  	s4 =	simm.s32 $0x70;
	s8 =	simm.s32 $0x0  }
0x73: {  	[tilespmem:s21], [sflag:$0x2] =	stream.indirect_vreg.gather [hbm4b:s7+s3], $0x80, v3, vm0, $0xb8;
	[tilespmem:$0x10200] =	vst v63  }
.LBB2_2:
0x74: {  	_ =	swait.ge [sflag:s22], $0x8000  }
0x75: {  	[sflag:s22] =	ssyncset.done $0x0  }
0x76: {  	s10 =	sadd.s32 s8, s9;
	s11 =	simm.s32 $0x200;
	[sflag:s22] =	ssyncadd.s32 $0xFFFF8000  }
0x77: {  	[hbm4b:s10+s3] =	stream.linear.scatter [tilespmem:s11], [sflag:$0x3], $0x8000, $0x38;
	[tilespmem:$0x10200] =	vst v63  }
0x78: {  	_ =	swait.ge [sflag:s23], $0x8000  }
0x79: {  	[sflag:s23] =	ssyncset.done $0x0  }
0x7a: {  	p0 =	seq.s32 s8, $0xE000;
	[sflag:s23] =	ssyncadd.s32 $0xFFFF8000  }
0x7b: {  	v3 =	vld @!p0 [tilespmem:s4+$0xFFFFFFD0];
	_ =	sdelay $0x4  }
0x7c: {  	v4 =	vshll.u32 @!p0 v3, $0x3  }
0x7d: {  	v5 =	vlaneseq.u32 @!p0;
	v3 =	vand.u32 @!p0 $0x7, v3;
	v4 =	vand.u32 @!p0 $0xFFFFFFC0, v4  }
0x7e: {  	v6 =	vshrl.u32 @!p0 v5, $0x3;
	v3 =	vor.u32 @!p0 v3, v4;
	v4 =	vand.u32 @!p0 $0x7, v5  }
0x7f: {  	v6 =	vmul.u32 @!p0 $0x8, v6;
	v7 =	vperm.xlane @!p0 v3, v4;
	_ =	sdelay $0x1  }
0x80: {  	v7 =	vadd.s32 @!p0 v6, v7;
	_ =	sdelay $0x3  }
0x81: {  	vm1 =	vmmov @!p0 $0xffff;
	s26 =	simm.s32 @!p0 $0x0;
	s11 =	simm.s32 @!p0 $0x200  }
0x82: {  	v5 =	vor.u32 @!p0 $0x8, v5;
	[tilespmem:s11], [sflag:$0x1] =	stream.indirect_vreg.gather @!p0 [hbm4b:s2+s26], $0x80, v7, vm1, $0xb8;
	[tilespmem:$0x10200] =	vst v63  }
0x83: {  	v3 =	vperm.xlane @!p0 v3, v5;
	s11 =	simm.s32 @!p0 $0xA00  }
0x84: {  	[tilespmem:s11], [sflag:$0x1] =	stream.indirect_vreg.gather @!p0 [hbm4b:s5+s26], $0x80, v7, vm1, $0xb8;
	[tilespmem:$0x10200] =	vst v63  }
0x85: {  	v3 =	vadd.s32 @!p0 v6, v3;
	s11 =	simm.s32 @!p0 $0x1200  }
0x86: {  	[tilespmem:s11], [sflag:$0x1] =	stream.indirect_vreg.gather @!p0 [hbm4b:s6+s26], $0x80, v7, vm1, $0xb8;
	[tilespmem:$0x10200] =	vst v63  }
0x87: {  	s11 =	simm.s32 @!p0 $0x1A00  }
0x88: {  	[tilespmem:s11], [sflag:$0x1] =	stream.indirect_vreg.gather @!p0 [hbm4b:s7+s26], $0x80, v7, vm1, $0xb8;
	[tilespmem:$0x10200] =	vst v63  }
0x89: {  	s11 =	simm.s32 @!p0 $0x2200  }
0x8a: {  	[tilespmem:s11], [sflag:$0x1] =	stream.indirect_vreg.gather @!p0 [hbm4b:s2+s26], $0x80, v3, vm1, $0xb8;
	[tilespmem:$0x10200] =	vst v63  }
0x8b: {  	s11 =	simm.s32 @!p0 $0x2A00  }
0x8c: {  	[tilespmem:s11], [sflag:$0x1] =	stream.indirect_vreg.gather @!p0 [hbm4b:s5+s26], $0x80, v3, vm1, $0xb8;
	[tilespmem:$0x10200] =	vst v63  }
0x8d: {  	s11 =	simm.s32 @!p0 $0x3200  }
0x8e: {  	[tilespmem:s11], [sflag:$0x1] =	stream.indirect_vreg.gather @!p0 [hbm4b:s6+s26], $0x80, v3, vm1, $0xb8;
	[tilespmem:$0x10200] =	vst v63  }
0x8f: {  	s11 =	simm.s32 @!p0 $0x3A00  }
0x90: {  	[tilespmem:s11], [sflag:$0x1] =	stream.indirect_vreg.gather @!p0 [hbm4b:s7+s26], $0x80, v3, vm1, $0xb8;
	[tilespmem:$0x10200] =	vst v63  }
0x91: {  	v3 =	vld @!p0 [tilespmem:s4+$0xFFFFFFE0];
	_ =	sdelay $0x4  }
0x92: {  	v7 =	vshll.u32 @!p0 v3, $0x3  }
0x93: {  	v3 =	vand.u32 @!p0 $0x7, v3;
	v7 =	vand.u32 @!p0 $0xFFFFFFC0, v7  }
0x94: {  	v3 =	vor.u32 @!p0 v3, v7  }
0x95: {  	v4 =	vperm.xlane @!p0 v3, v4;
	_ =	sdelay $0x1  }
0x96: {  	v4 =	vadd.s32 @!p0 v6, v4;
	_ =	sdelay $0x3  }
0x97: {  	s11 =	simm.s32 @!p0 $0x4200  }
0x98: {  	[tilespmem:s11], [sflag:$0x1] =	stream.indirect_vreg.gather @!p0 [hbm4b:s2+s26], $0x80, v4, vm1, $0xb8;
	[tilespmem:$0x10200] =	vst v63  }
0x99: {  	v3 =	vperm.xlane @!p0 v3, v5;
	s11 =	simm.s32 @!p0 $0x4A00  }
0x9a: {  	[tilespmem:s11], [sflag:$0x1] =	stream.indirect_vreg.gather @!p0 [hbm4b:s5+s26], $0x80, v4, vm1, $0xb8;
	[tilespmem:$0x10200] =	vst v63  }
0x9b: {  	v3 =	vadd.s32 @!p0 v6, v3;
	s11 =	simm.s32 @!p0 $0x5200  }
0x9c: {  	[tilespmem:s11], [sflag:$0x1] =	stream.indirect_vreg.gather @!p0 [hbm4b:s6+s26], $0x80, v4, vm1, $0xb8;
	[tilespmem:$0x10200] =	vst v63  }
0x9d: {  	s11 =	simm.s32 @!p0 $0x5A00  }
0x9e: {  	[tilespmem:s11], [sflag:$0x1] =	stream.indirect_vreg.gather @!p0 [hbm4b:s7+s26], $0x80, v4, vm1, $0xb8;
	[tilespmem:$0x10200] =	vst v63  }
0x9f: {  	s11 =	simm.s32 @!p0 $0x6200  }
0xa0: {  	[tilespmem:s11], [sflag:$0x1] =	stream.indirect_vreg.gather @!p0 [hbm4b:s2+s26], $0x80, v3, vm1, $0xb8;
	[tilespmem:$0x10200] =	vst v63  }
0xa1: {  	s11 =	simm.s32 @!p0 $0x6A00  }
0xa2: {  	[tilespmem:s11], [sflag:$0x1] =	stream.indirect_vreg.gather @!p0 [hbm4b:s5+s26], $0x80, v3, vm1, $0xb8;
	[tilespmem:$0x10200] =	vst v63  }
0xa3: {  	s11 =	simm.s32 @!p0 $0x7200  }
0xa4: {  	[tilespmem:s11], [sflag:$0x1] =	stream.indirect_vreg.gather @!p0 [hbm4b:s6+s26], $0x80, v3, vm1, $0xb8;
	[tilespmem:$0x10200] =	vst v63  }
0xa5: {  	s11 =	simm.s32 @!p0 $0x7A00  }
0xa6: {  	[tilespmem:s11], [sflag:$0x1] =	stream.indirect_vreg.gather @!p0 [hbm4b:s7+s26], $0x80, v3, vm1, $0xb8;
	[tilespmem:$0x10200] =	vst v63  }
0xa7: {  	_ =	swait.ge [sflag:s24], $0x8000  }
0xa8: {  	[sflag:s24] =	ssyncset.done $0x0  }
.Ltmp2:
0xa9: {  	s10 =	sadd.s32 $0x1000, s10;
	[sflag:s24] =	ssyncadd.s32 $0xFFFF8000;
	(pc) =	sbr.rel @p0 .LBB2_4-.Ltmp2, $4  }
0xaa: {  	[hbm4b:s10+s3] =	stream.linear.scatter [tilespmem:s28], [sflag:$0x4], $0x8000, $0x38;
	[tilespmem:$0x10200] =	vst v63  }
0xab: {  	_ =	swait.ge [sflag:s25], $0x8000  }
0xac: {  	[sflag:s25] =	ssyncset.done $0x0  }
0xad: {  	[sflag:s25] =	ssyncadd.s32 $0xFFFF8000  }
0xae: {  	v3 =	vld [tilespmem:s4+$0xFFFFFFF0];
	_ =	sdelay $0x4  }
0xaf: {  	v4 =	vshll.u32 v3, $0x3  }
0xb0: {  	v3 =	vand.u32 $0x7, v3;
	v4 =	vand.u32 $0xFFFFFFC0, v4  }
0xb1: {  	v3 =	vor.u32 v3, v4  }
0xb2: {  	v4 =	vperm.xlane v3, v0;
	_ =	sdelay $0x1  }
0xb3: {  	v4 =	vadd.s32 v1, v4;
	_ =	sdelay $0x4  }
0xb4: {  	[tilespmem:s28], [sflag:$0x2] =	stream.indirect_vreg.gather [hbm4b:s2+s3], $0x80, v4, vm0, $0xb8;
	[tilespmem:$0x10200] =	vst v63  }
0xb5: {  	v3 =	vperm.xlane v3, v2  }
0xb6: {  	[tilespmem:s29], [sflag:$0x2] =	stream.indirect_vreg.gather [hbm4b:s5+s3], $0x80, v4, vm0, $0xb8;
	[tilespmem:$0x10200] =	vst v63  }
0xb7: {  	v3 =	vadd.s32 v1, v3  }
0xb8: {  	[tilespmem:s30], [sflag:$0x2] =	stream.indirect_vreg.gather [hbm4b:s6+s3], $0x80, v4, vm0, $0xb8;
	[tilespmem:$0x10200] =	vst v63  }
0xb9: {  	_ = 	snop  }
0xba: {  	[tilespmem:s31], [sflag:$0x2] =	stream.indirect_vreg.gather [hbm4b:s7+s3], $0x80, v4, vm0, $0xb8;
	[tilespmem:$0x10200] =	vst v63  }
0xbb: {  	_ = 	snop  }
0xbc: {  	[tilespmem:s1], [sflag:$0x2] =	stream.indirect_vreg.gather [hbm4b:s2+s3], $0x80, v3, vm0, $0xb8;
	[tilespmem:$0x10200] =	vst v63  }
0xbd: {  	_ = 	snop  }
0xbe: {  	[tilespmem:s0], [sflag:$0x2] =	stream.indirect_vreg.gather [hbm4b:s5+s3], $0x80, v3, vm0, $0xb8;
	[tilespmem:$0x10200] =	vst v63  }
0xbf: {  	_ = 	snop  }
0xc0: {  	[tilespmem:s12], [sflag:$0x2] =	stream.indirect_vreg.gather [hbm4b:s6+s3], $0x80, v3, vm0, $0xb8;
	[tilespmem:$0x10200] =	vst v63  }
0xc1: {  	_ = 	snop  }
0xc2: {  	[tilespmem:s13], [sflag:$0x2] =	stream.indirect_vreg.gather [hbm4b:s7+s3], $0x80, v3, vm0, $0xb8;
	[tilespmem:$0x10200] =	vst v63  }
0xc3: {  	v3 =	vld [tilespmem:s4+$0x0];
	_ =	sdelay $0x4  }
0xc4: {  	v63 =	vshll.u32 v3, $0x3  }
0xc5: {  	v3 =	vand.u32 $0x7, v3;
	v4 =	vand.u32 $0xFFFFFFC0, v63  }
0xc6: {  	v3 =	vor.u32 v3, v4  }
0xc7: {  	v4 =	vperm.xlane v3, v0;
	_ =	sdelay $0x1  }
0xc8: {  	v4 =	vadd.s32 v1, v4;
	_ =	sdelay $0x4  }
0xc9: {  	[tilespmem:s14], [sflag:$0x2] =	stream.indirect_vreg.gather [hbm4b:s2+s3], $0x80, v4, vm0, $0xb8;
	[tilespmem:$0x10200] =	vst v63  }
0xca: {  	v3 =	vperm.xlane v3, v2  }
0xcb: {  	[tilespmem:s15], [sflag:$0x2] =	stream.indirect_vreg.gather [hbm4b:s5+s3], $0x80, v4, vm0, $0xb8;
	[tilespmem:$0x10200] =	vst v63  }
0xcc: {  	v3 =	vadd.s32 v1, v3  }
0xcd: {  	[tilespmem:s16], [sflag:$0x2] =	stream.indirect_vreg.gather [hbm4b:s6+s3], $0x80, v4, vm0, $0xb8;
	[tilespmem:$0x10200] =	vst v63  }
0xce: {  	_ = 	snop  }
0xcf: {  	[tilespmem:s17], [sflag:$0x2] =	stream.indirect_vreg.gather [hbm4b:s7+s3], $0x80, v4, vm0, $0xb8;
	[tilespmem:$0x10200] =	vst v63  }
0xd0: {  	_ = 	snop  }
0xd1: {  	[tilespmem:s18], [sflag:$0x2] =	stream.indirect_vreg.gather [hbm4b:s2+s3], $0x80, v3, vm0, $0xb8;
	[tilespmem:$0x10200] =	vst v63  }
0xd2: {  	_ = 	snop  }
0xd3: {  	[tilespmem:s19], [sflag:$0x2] =	stream.indirect_vreg.gather [hbm4b:s5+s3], $0x80, v3, vm0, $0xb8;
	[tilespmem:$0x10200] =	vst v63  }
.Ltmp3:
0xd4: {  	_ = 	snop;
	(pc) =	sbr.rel .LBB2_2-.Ltmp3, $4  }
0xd5: {  	_ = 	snop  }
0xd6: {  	[tilespmem:s20], [sflag:$0x2] =	stream.indirect_vreg.gather [hbm4b:s6+s3], $0x80, v3, vm0, $0xb8;
	[tilespmem:$0x10200] =	vst v63  }
0xd7: {  	s8 =	sadd.s32 $0x2000, s8;
	s4 =	sadd.s32 $0x40, s4  }
0xd8: {  	[tilespmem:s21], [sflag:$0x2] =	stream.indirect_vreg.gather [hbm4b:s7+s3], $0x80, v3, vm0, $0xb8;
	[tilespmem:$0x10200] =	vst v63  }
.LBB2_5:
0xd9: {  	_ =	sfence.sel $0x180000  }
0xda: {  	[bflag:$0x0] =	sbarrier.arrive $0xFFFF  }
0xdb: {  	_ =	strace $0x9000004A  }
0xdc: {  	s0 =	stileid.u32;
	[bflag:$0x2] =	sbarrier.arrive $0xFFFF  }
0xdd: {  	p0 =	sne.s32 s0, $0x0;
	s0 =	rddreg [dreg:$0x3]  }
0xde: {  	s0 =	sadd.s32 @!p0 $0x100000, s0  }
0xdf: {  	[sflag:s0] =	ssyncadd.tile.s32 @!p0 $0x1;
	_ =	shalt  }
.Lfunc_end2:
_tile_overlayer_lowered:
.L_overlay_start_2:
0xe0: {  	(tag) =	ssettag $0x2  }
0xe1: {  	s0 =	rddreg [dreg:$0x0];
	s2 =	stileid.u32  }
0xe2: {  	s1 =	rddreg [dreg:$0x1];
	p0 =	sne.s32 s2, $0x0  }
0xe3: {  	s3 =	rddreg [dreg:$0x2];
	[bflag:$0x3] =	sbarrier.arrive $0xFFFF;
	s2 =	simm.s32 @!p0 $0x1C05  }
0xe4: {  	[timem:s3], [sflag:s2] =	dma.local @!p0 [hbm:s0], s1  }
0xe5: {  	s0 =	simm.s32 @!p0 $0x5  }
0xe6: {  	_ =	swait.ge @!p0 [sflag:s0], s1  }
0xe7: {  	s1 =	ssub.s32 @!p0 $0x0, s1;
	[sflag:s0] =	ssyncset.done @!p0 $0x0  }
0xe8: {  	[sflag:s0] =	ssyncadd.s32 @!p0 s1  }
0xe9: {  	[bflag:$0x3] =	sbarrier.arrive $0xFFFF  }
0xea: {  	_ =	shalt  }

// kernel: kernel.9.cloned.1.call-start
scs
__scs_entry_jumppad:
0x0: {  	(pc) =	sbr.rel $0x88, $3  }
0x1: {  	(tag) =	ssettag $0x0;
	lr =	simm.s32 $0x1  }
0x2: {  	[smem:$0x3F9D] =	sst lr;
	_ =	strace $0xD0000000  }
0x3: {  	_ = 	snop  }
0x4: {  	_ = 	snop  }
0x5: {  	_ = 	snop  }
0x6: {  	_ = 	snop  }
0x7: {  	_ = 	snop  }
__scs_overlays_trampoline_lowered:
0x8: {  	[smem:$0x3FAC] =	sst s0  }
0x9: {  	[smem:$0x3FAD] =	sst s1  }
0xa: {  	[smem:$0x3FAE] =	sst s2  }
0xb: {  	[smem:$0x3FAF] =	sst s3  }
0xc: {  	[smem:$0x3FB0] =	sst s4  }
0xd: {  	[smem:$0x3FB1] =	sst s5  }
0xe: {  	[smem:$0x3FB2] =	sst s6  }
0xf: {  	[smem:$0x3FB3] =	sst s7  }
0x10: {  	[smem:$0x3FB4] =	sst s8  }
0x11: {  	[smem:$0x3FB5] =	sst s9;
	s0 =	simm.s32 @!p0 $0x0  }
0x12: {  	s1 =	sld [smem:$0x3F9B];
	s0 =	simm.s32 @p0 $0x1  }
0x13: {  	[smem:$0x3FB6] =	sst s0;
	s0 =	simm.s32 @!p1 $0x0  }
0x14: {  	s2 =	sld [smem:$0x3F9A];
	s0 =	simm.s32 @p1 $0x1  }
0x15: {  	[smem:$0x3FB7] =	sst s0;
	s0 =	simm.s32 @!p2 $0x0  }
0x16: {  	s3 =	sld [smem:$0x3FDB];
	s0 =	simm.s32 @p2 $0x1  }
0x17: {  	s4 =	simm.s32 $0x1BF5;
	[smem:$0x3FB9] =	sst s0  }
0x18: {  	s0 =	sld [smem:$0x3F9C];
	_ =	swait.ge [sflag:s4], $0x0  }
0x19: {  	s7 =	sld [smem:$0x3F9D]  }
0x1a: {  	s8 =	sadd.s32 $0xFFFFE003, lr  }
0x1b: {  	s9 =	sadd.s32 $0xFFFFFEF7, lr;
	s5 =	simm.s32 $0xFFFFFFFF;
	p2 =	slt.u32 s8, $0xFFFFF086  }
0x1c: {  	p1 =	slt.u32 s9, $0xF7A;
	s5 =	simm.s32 @!p2 $0x0  }
0x1d: {  	s5 =	simm.s32 @p1 $0x1;
	p0 =	seq.s32 s7, s2  }
0x1e: {  	s7 =	smul.u32 @!p0 $0xF7A, s2;
	p2 =	seq.s32 @!p0 s5, $0x0  }
0x1f: {  	s9 =	smul.u32 $0xF7A, s1;
	s8 =	simm.s32 @!p0 $0x1BF5;
	p2 =	por !p2, p0  }
0x20: {  	[sflag:s8] =	ssyncset.s32 @!p0 $0xFFFFF086;
	s6 =	sadd.s32 @!p0 s3, s7;
	s7 =	simm.s32 @!p0 $0x108  }
0x21: {  	s3 =	sadd.s32 s3, s9;
	s6 =	sadd.s32 @!p0 $0x88, s6;
	s7 =	simm.s32 @p2 $0x1082  }
0x22: {  	[simem:s7], [sflag:s8] =	dma.local @!p0 [hbm:s6], $0xF7A  }
0x23: {  	s9 =	sor.u32 $0xD0000000, s2;
	s6 =	simm.s32 $0x108;
	_ =	swait.ge @!p0 [sflag:s8], $0x0  }
0x24: {  	s3 =	sadd.s32 $0x88, s3;
	s6 =	simm.s32 @!p1 $0x1082;
	[sflag:s4] =	ssyncset.s32 $0xFFFFF086  }
0x25: {  	[simem:s6], [sflag:s4] =	dma.local [hbm:s3], $0xF7A  }
0x26: {  	[smem:$0x3F9D] =	sst s1;
	(tag) =	ssettag s2;
	_ =	strace s9  }
0x27: {  	s1 =	sld [smem:$0x3FAD]  }
0x28: {  	s2 =	sld [smem:$0x3FAE]  }
0x29: {  	s4 =	sld [smem:$0x3FB0]  }
0x2a: {  	p0 =	seq.s32 s5, $0x0;
	s5 =	sld [smem:$0x3FB1]  }
0x2b: {  	s6 =	sld [smem:$0x3FB2]  }
0x2c: {  	s7 =	sld [smem:$0x3FB3]  }
0x2d: {  	s3 =	simm.s32 $0x108;
	s8 =	sld [smem:$0x3FB4]  }
0x2e: {  	s3 =	simm.s32 @!p0 $0x1082;
	s9 =	sld [smem:$0x3FB5]  }
0x2f: {  	lr =	sadd.s32 s0, s3;
	s0 =	sld [smem:$0x3FAC]  }
0x30: {  	s3 =	sld [smem:$0x3FAF]  }
0x31: {  	[smem:$0x3FB8] =	sst s10  }
0x32: {  	s10 =	sld [smem:$0x3FB6];
	_ =	sdelay $0x3  }
0x33: {  	p0 =	seq.s32 s10, $0x1;
	s10 =	sld [smem:$0x3FB8];
	_ =	sdelay $0x3  }
0x34: {  	[smem:$0x3FB8] =	sst s10  }
0x35: {  	s10 =	sld [smem:$0x3FB7];
	_ =	sdelay $0x3  }
0x36: {  	p1 =	seq.s32 s10, $0x1;
	s10 =	sld [smem:$0x3FB8];
	_ =	sdelay $0x3  }
0x37: {  	[smem:$0x3FB8] =	sst s10  }
0x38: {  	s10 =	sld [smem:$0x3FB9]  }
0x39: {  	_ = 	snop;
	(pc) =	sbr.ind lr, $3  }
0x3a: {  	_ = 	snop  }
0x3b: {  	_ = 	snop  }
0x3c: {  	p2 =	seq.s32 s10, $0x1;
	s10 =	sld [smem:$0x3FB8]  }
0x3d: {  	_ =	shalt  }
0x3e: {  	_ =	shalt  }
0x3f: {  	_ =	shalt  }
0x40: {  	_ =	shalt  }
0x41: {  	_ =	shalt  }
0x42: {  	_ =	shalt  }
0x43: {  	_ =	shalt  }
0x44: {  	_ =	shalt  }
0x45: {  	_ =	shalt  }
0x46: {  	_ =	shalt  }
0x47: {  	_ =	shalt  }
0x48: {  	_ =	shalt  }
0x49: {  	_ =	shalt  }
0x4a: {  	_ =	shalt  }
0x4b: {  	_ =	shalt  }
0x4c: {  	_ =	shalt  }
0x4d: {  	_ =	shalt  }
0x4e: {  	_ =	shalt  }
0x4f: {  	_ =	shalt  }
0x50: {  	_ =	shalt  }
0x51: {  	_ =	shalt  }
0x52: {  	_ =	shalt  }
0x53: {  	_ =	shalt  }
0x54: {  	_ =	shalt  }
0x55: {  	_ =	shalt  }
0x56: {  	_ =	shalt  }
0x57: {  	_ =	shalt  }
0x58: {  	_ =	shalt  }
0x59: {  	_ =	shalt  }
0x5a: {  	_ =	shalt  }
0x5b: {  	_ =	shalt  }
0x5c: {  	_ =	shalt  }
0x5d: {  	_ =	shalt  }
0x5e: {  	_ =	shalt  }
0x5f: {  	_ =	shalt  }
0x60: {  	_ =	shalt  }
0x61: {  	_ =	shalt  }
0x62: {  	_ =	shalt  }
0x63: {  	_ =	shalt  }
0x64: {  	_ =	shalt  }
0x65: {  	_ =	shalt  }
0x66: {  	_ =	shalt  }
0x67: {  	_ =	shalt  }
0x68: {  	_ =	shalt  }
0x69: {  	_ =	shalt  }
0x6a: {  	_ =	shalt  }
0x6b: {  	_ =	shalt  }
0x6c: {  	_ =	shalt  }
0x6d: {  	_ =	shalt  }
0x6e: {  	_ =	shalt  }
0x6f: {  	_ =	shalt  }
0x70: {  	_ =	shalt  }
0x71: {  	_ =	shalt  }
0x72: {  	_ =	shalt  }
0x73: {  	_ =	shalt  }
0x74: {  	_ =	shalt  }
0x75: {  	_ =	shalt  }
0x76: {  	_ =	shalt  }
0x77: {  	_ =	shalt  }
0x78: {  	_ =	shalt  }
0x79: {  	_ =	shalt  }
0x7a: {  	_ =	shalt  }
0x7b: {  	_ =	shalt  }
0x7c: {  	_ =	shalt  }
0x7d: {  	_ =	shalt  }
0x7e: {  	_ =	shalt  }
0x7f: {  	_ =	shalt  }
0x80: {  	_ =	shalt  }
0x81: {  	_ =	shalt  }
0x82: {  	_ =	shalt  }
0x83: {  	_ =	shalt  }
0x84: {  	_ =	shalt  }
0x85: {  	_ =	shalt  }
0x86: {  	_ =	shalt  }
0x87: {  	_ =	shalt  }
.Lfunc_end0:
.L_simem_size_0:
called_computation.1_lowered:
.L_overlay_start_0:
0x88: {  	s2 =	sld [smem:$0x3FD9]  }
0x89: {  	s3 =	sld [smem:$0x3FFE];
	_ =	sdelay $0x1  }
0x8a: {  	s1 =	srdreg.scid  }
0x8b: {  	s0 =	sand.u32 $0x1, s1  }
0x8c: {  	s17 =	sshll.u32 s0, $0xA;
	s2 =	sadd.s32 s3, s2  }
0x8d: {  	s2 =	sadd.s32 s2, s17  }
0x8e: {  	[smem:$0x3FC4] =	sst s2  }
0x8f: {  	_ = 	snop  }
0x90: {  	s2 =	sld [smem:$0x3FC8];
	(tm) =	ssettm $0x1  }
0x91: {  	s18 =	sld [smem:$0x3FFB];
	_ =	sdelay $0x3  }
0x92: {  	_ =	strace s18  }
0x93: {  	s3 =	sld [smem:$0x3FFC];
	_ =	sdelay $0x3  }
0x94: {  	_ =	strace s3  }
0x95: {  	s3 =	sld [smem:$0x3FFD];
	_ =	sdelay $0x3  }
0x96: {  	_ =	strace s3  }
0x97: {  	_ =	strace $0x8FFFFFFF  }
0x98: {  	s19 =	sld [smem:$0x3FDB];
	_ =	sdelay $0x1  }
0x99: {  	s4 =	simm.s32 $_scs_section_size  }
0x9a: {  	s5 =	simm.s32 $_size__tile_overlayer_lowered;
	s6 =	simm.s32 $_tile_overlayer_lowered  }
0x9b: {  	s22 =	simm.s32 $0x1BFF;
	s21 =	sshll.u32 s6, $0x1;
	s3 =	sadd.s32 s4, s19  }
0x9c: {  	s7 =	simm.s32 $0x0;
	s20 =	sshll.u32 s5, $0x1;
	s5 =	sadd.s32 s21, s3  }
0x9d: {  	[timem:s7], [sflag:s22] =	dma.local [hbm:s5], s20  }
0x9e: {  	_ =	swait.ge [sflag:s22], s20  }
0x9f: {  	s4 =	ssub.s32 $0x0, s20;
	[sflag:s22] =	ssyncset.done $0x0  }
0xa0: {  	[sflag:s22] =	ssyncadd.s32 s4;
	_ =	sdelay $0x1  }
0xa1: {  	s23 =	simm.s32 $0x1B8B  }
0xa2: {  	_ =	swait.ge [sflag:s23], $0x1  }
0xa3: {  	[sflag:s23] =	ssyncset.done $0x0  }
0xa4: {  	s25 =	simm.s32 $0x1B8E;
	s24 =	sld [smem:$0x3FFE];
	[sflag:s23] =	ssyncadd.s32 $0xFFFFFFFF  }
0xa5: {  	s26 =	simm.s32 $execute0_lowered;
	[smem:$0x3FD2] =	sst s25  }
0xa6: {  	s5 =	sshll.u32 s26, $0x1;
	_ =	strace $0x80000046;
	[dreg:$0x1] =	wrdreg $0xFFFFFFFF  }
0xa7: {  	s28 =	simm.s32 $_size_execute0_lowered;
	s3 =	sadd.s32 s3, s5;
	[dreg:$0x0] =	wrdreg $0x0  }
0xa8: {  	s5 =	sshll.u32 s28, $0x1;
	[dreg:$0x2] =	wrdreg s3  }
0xa9: {  	[dreg:$0x3] =	wrdreg s5  }
0xaa: {  	[dreg:$0x4] =	wrdreg $0xC0  }
0xab: {  	_ =	task [dreg:s7], $0x5FFFF  }
0xac: {  	[dreg:$0x1] =	wrdreg $0xFFFFFFFF  }
0xad: {  	[dreg:$0x0] =	wrdreg $0x60  }
0xae: {  	[dreg:$0x2] =	wrdreg s24  }
0xaf: {  	[dreg:$0x3] =	wrdreg s2  }
0xb0: {  	[dreg:$0x4] =	wrdreg $0xA  }
0xb1: {  	_ =	task.clear_ibuf [dreg:s7], $0x5FFFF;
	_ =	strace $0x90000046  }
0xb2: {  	s29 =	simm.s32 $0xA;
	_ =	strace $0x80000048  }
0xb3: {  	_ =	swait.ge [sflag:s29], $0x1  }
0xb4: {  	[sflag:s29] =	ssyncadd.s32 $0xFFFFFFFF  }
0xb5: {  	_ =	strace $0x90000048  }
0xb6: {  	_ =	sfence  }
0xb7: {  	s30 =	sld [smem:$0x0];
	_ =	sdelay $0x2  }
0xb8: {  	s31 =	sshll.u32 s1, $0xD;
	s1 =	sshrl.u32 s1, $0x2  }
0xb9: {  	s3 =	sand.u32 $0x4000, s31;
	s1 =	sadd.s32 s1, s30  }
0xba: {  	s0 =	sor.u32 s3, s0;
	s1 =	sshll.u32 s1, $0x11  }
0xbb: {  	s0 =	sor.u32 s1, s0  }
0xbc: {  	s0 =	sadd.s32 $0x8F2B, s0  }
0xbd: {  	[sflag:s0] =	ssyncadd.remote.s32 $0x1  }
0xbe: {  	_ =	sfence.sel $0xFFFF  }
0xbf: {  	[dreg:$0x0] =	wrdreg $0xFFFFFFFF;
	(pc) =	sbr.abs _section_cstart, $3  }
0xc0: {  	[dreg:$0x1] =	wrdreg $0xFFFFFFFF  }
0xc1: {  	_ =	task.clear_ibuf [dreg:s7], $0x2FFFF;
	_ =	strace $0x9FFFFFFF  }
0xc2: {  	(tm) =	ssettm $0x7FFFFFFF  }
0xc3: {  	_ =	shalt  }
tec
execute0_lowered:
.L_overlay_start_1:
0x0: {  	(tag) =	ssettag $0x1  }
0x1: {  	s0 =	rddreg [dreg:$0x0]  }
0x2: {  	s2 =	rddreg [dreg:$0x1]  }
0x3: {  	s1 =	srdreg.scid;
	s6 =	stileid.u32;
	s3 =	simm.s32 $0x0  }
0x4: {  	s28 =	simm.s32 $0x8200;
	s29 =	simm.s32 $0x8A00;
	s30 =	simm.s32 $0x9200  }
0x5: {  	s31 =	simm.s32 $0x9A00;
	s12 =	simm.s32 $0xB200;
	s13 =	simm.s32 $0xBA00  }
0x6: {  	s14 =	simm.s32 $0xC200;
	s15 =	simm.s32 $0xCA00;
	s16 =	simm.s32 $0xD200  }
0x7: {  	s17 =	simm.s32 $0xDA00;
	s18 =	simm.s32 $0xE200;
	s19 =	simm.s32 $0xEA00  }
0x8: {  	s20 =	simm.s32 $0xF200;
	s21 =	simm.s32 $0xFA00;
	s22 =	simm.s32 $0x1  }
0x9: {  	s23 =	simm.s32 $0x3;
	s24 =	simm.s32 $0x2;
	s1 =	sand.u32 $0x1, s1  }
0xa: {  	s4 =	sshll.u32 s6, $0xA;
	[smem:$0x7FF] =	sst s3;
	s6 =	sshll.u32 s6, $0x11  }
0xb: {  	s5 =	sshll.u32 s1, $0x9;
	_ =	strace $0x80000047;
	s25 =	ssub.s32 $0x2, s1  }
0xc: {  	s1 =	sshll.u32 s1, $0x10;
	s4 =	sor.u32 s5, s4;
	s7 =	sshrl.u32 s25, $0x1  }
0xd: {  	s5 =	sadd.s32 $0x100, s2;
	s4 =	sshrl.u32 s4, $0x3;
	s8 =	ssub.s32 s25, s7  }
.Ltmp0:
0xe: {  	s7 =	sadd.s32 $0x300, s2;
	s25 =	simm.s32 $0x4;
	(pc) =	sbr.rel .LBB2_1-.Ltmp0, $4  }
0xf: {  	s4 =	sadd.s32 s4, s0;
	s0 =	sadd.s32 s6, s0;
	s6 =	sadd.s32 $0x200, s2  }
0x10: {  	v2 =	vlaneseq.u32;
	s26 =	smax.u32 s8, $0x1;
	s8 =	simm.s32 $0x0;
	s4 =	sadd.s32 $0xE00, s4  }
0x11: {  	vm0 =	vmmov $0xffff;
	v1 =	vshrl.u32 v2, $0x3;
	[dreg:$0x4] =	wrdreg s26;
	s0 =	sadd.s32 s1, s0;
	s1 =	simm.s32 $0xAA00  }
0x12: {  	v0 =	vand.u32 $0x7, v2;
	v2 =	vor.u32 $0x8, v2;
	v1 =	vmul.u32 $0x8, v1;
	[dreg:$0x3] =	wrdreg s4;
	s9 =	sadd.s32 $0x1600, s0;
	s0 =	simm.s32 $0xA200  }
.LBB2_4:
0x13: {  	s8 =	rddreg [dreg:$0x5]  }
0x14: {  	s4 =	rddreg [dreg:$0x4];
	s8 =	sadd.s32 $0x1, s8  }
0x15: {  	p0 =	sne.s32 s8, s4  }
.Ltmp1:
0x16: {  	_ = 	snop;
	(pc) =	sbr.rel @!p0 .LBB2_5-.Ltmp1, $1  }
0x17: {  	_ =	sdelay $0x3  }
.LBB2_1:
0x18: {  	[dreg:$0x5] =	wrdreg s8  }
0x19: {  	s4 =	rddreg [dreg:$0x3];
	s26 =	simm.s32 $0x5  }
0x1a: {  	[tilespmem:s3], [sflag:$0x5] =	stream.linear.gather [hbm4b:s4+s3], $0x200, $0x38;
	[tilespmem:$0x10200] =	vst v63  }
0x1b: {  	_ =	swait.ge [sflag:s26], $0x200  }
0x1c: {  	[sflag:s26] =	ssyncset.done $0x0  }
0x1d: {  	[sflag:s26] =	ssyncadd.s32 $0xFFFFFE00  }
0x1e: {  	v3 =	vld [tilespmem:$0x0];
	_ =	sdelay $0x4  }
0x1f: {  	v4 =	vshll.u32 v3, $0x3  }
0x20: {  	v3 =	vand.u32 $0x7, v3;
	v4 =	vand.u32 $0xFFFFFFC0, v4  }
0x21: {  	v3 =	vor.u32 v3, v4  }
0x22: {  	v4 =	vperm.xlane v3, v0;
	_ =	sdelay $0x1  }
0x23: {  	v4 =	vadd.s32 v1, v4;
	_ =	sdelay $0x3  }
0x24: {  	s8 =	simm.s32 $0x200  }
0x25: {  	[tilespmem:s8], [sflag:$0x1] =	stream.indirect_vreg.gather [hbm4b:s2+s3], $0x80, v4, vm0, $0xb8;
	[tilespmem:$0x10200] =	vst v63  }
0x26: {  	s10 =	simm.s32 $0xA00;
	v3 =	vperm.xlane v3, v2  }
0x27: {  	[tilespmem:s10], [sflag:$0x1] =	stream.indirect_vreg.gather [hbm4b:s5+s3], $0x80, v4, vm0, $0xb8;
	[tilespmem:$0x10200] =	vst v63  }
0x28: {  	s11 =	simm.s32 $0x1200;
	v3 =	vadd.s32 v1, v3  }
0x29: {  	[tilespmem:s11], [sflag:$0x1] =	stream.indirect_vreg.gather [hbm4b:s6+s3], $0x80, v4, vm0, $0xb8;
	[tilespmem:$0x10200] =	vst v63  }
0x2a: {  	s26 =	simm.s32 $0x1A00  }
0x2b: {  	[tilespmem:s26], [sflag:$0x1] =	stream.indirect_vreg.gather [hbm4b:s7+s3], $0x80, v4, vm0, $0xb8;
	[tilespmem:$0x10200] =	vst v63  }
0x2c: {  	s8 =	simm.s32 $0x2200  }
0x2d: {  	[tilespmem:s8], [sflag:$0x1] =	stream.indirect_vreg.gather [hbm4b:s2+s3], $0x80, v3, vm0, $0xb8;
	[tilespmem:$0x10200] =	vst v63  }
0x2e: {  	s10 =	simm.s32 $0x2A00  }
0x2f: {  	[tilespmem:s10], [sflag:$0x1] =	stream.indirect_vreg.gather [hbm4b:s5+s3], $0x80, v3, vm0, $0xb8;
	[tilespmem:$0x10200] =	vst v63  }
0x30: {  	s11 =	simm.s32 $0x3200  }
0x31: {  	[tilespmem:s11], [sflag:$0x1] =	stream.indirect_vreg.gather [hbm4b:s6+s3], $0x80, v3, vm0, $0xb8;
	[tilespmem:$0x10200] =	vst v63  }
0x32: {  	s26 =	simm.s32 $0x3A00  }
0x33: {  	[tilespmem:s26], [sflag:$0x1] =	stream.indirect_vreg.gather [hbm4b:s7+s3], $0x80, v3, vm0, $0xb8;
	[tilespmem:$0x10200] =	vst v63  }
0x34: {  	v3 =	vld [tilespmem:$0x10];
	_ =	sdelay $0x4  }
0x35: {  	v61 =	vshll.u32 v3, $0x3  }
0x36: {  	v3 =	vand.u32 $0x7, v3;
	v4 =	vand.u32 $0xFFFFFFC0, v61  }
0x37: {  	v3 =	vor.u32 v3, v4  }
0x38: {  	v4 =	vperm.xlane v3, v0;
	_ =	sdelay $0x1  }
0x39: {  	v4 =	vadd.s32 v1, v4;
	_ =	sdelay $0x3  }
0x3a: {  	s8 =	simm.s32 $0x4200  }
0x3b: {  	[tilespmem:s8], [sflag:$0x1] =	stream.indirect_vreg.gather [hbm4b:s2+s3], $0x80, v4, vm0, $0xb8;
	[tilespmem:$0x10200] =	vst v63  }
0x3c: {  	s10 =	simm.s32 $0x4A00;
	v3 =	vperm.xlane v3, v2  }
0x3d: {  	[tilespmem:s10], [sflag:$0x1] =	stream.indirect_vreg.gather [hbm4b:s5+s3], $0x80, v4, vm0, $0xb8;
	[tilespmem:$0x10200] =	vst v63  }
0x3e: {  	s11 =	simm.s32 $0x5200;
	v3 =	vadd.s32 v1, v3  }
0x3f: {  	[tilespmem:s11], [sflag:$0x1] =	stream.indirect_vreg.gather [hbm4b:s6+s3], $0x80, v4, vm0, $0xb8;
	[tilespmem:$0x10200] =	vst v63  }
0x40: {  	s26 =	simm.s32 $0x5A00  }
0x41: {  	[tilespmem:s26], [sflag:$0x1] =	stream.indirect_vreg.gather [hbm4b:s7+s3], $0x80, v4, vm0, $0xb8;
	[tilespmem:$0x10200] =	vst v63  }
0x42: {  	s8 =	simm.s32 $0x6200  }
0x43: {  	[tilespmem:s8], [sflag:$0x1] =	stream.indirect_vreg.gather [hbm4b:s2+s3], $0x80, v3, vm0, $0xb8;
	[tilespmem:$0x10200] =	vst v63  }
0x44: {  	s10 =	simm.s32 $0x6A00  }
0x45: {  	[tilespmem:s10], [sflag:$0x1] =	stream.indirect_vreg.gather [hbm4b:s5+s3], $0x80, v3, vm0, $0xb8;
	[tilespmem:$0x10200] =	vst v63  }
0x46: {  	s11 =	simm.s32 $0x7200  }
0x47: {  	[tilespmem:s11], [sflag:$0x1] =	stream.indirect_vreg.gather [hbm4b:s6+s3], $0x80, v3, vm0, $0xb8;
	[tilespmem:$0x10200] =	vst v63  }
0x48: {  	s26 =	simm.s32 $0x7A00  }
0x49: {  	[tilespmem:s26], [sflag:$0x1] =	stream.indirect_vreg.gather [hbm4b:s7+s3], $0x80, v3, vm0, $0xb8;
	[tilespmem:$0x10200] =	vst v63  }
0x4a: {  	v3 =	vld [tilespmem:$0x20];
	_ =	sdelay $0x4  }
0x4b: {  	v62 =	vshll.u32 v3, $0x3  }
0x4c: {  	v3 =	vand.u32 $0x7, v3;
	v4 =	vand.u32 $0xFFFFFFC0, v62  }
0x4d: {  	v3 =	vor.u32 v3, v4  }
0x4e: {  	v4 =	vperm.xlane v3, v0;
	_ =	sdelay $0x1  }
0x4f: {  	v4 =	vadd.s32 v1, v4;
	_ =	sdelay $0x4  }
0x50: {  	[tilespmem:s28], [sflag:$0x2] =	stream.indirect_vreg.gather [hbm4b:s2+s3], $0x80, v4, vm0, $0xb8;
	[tilespmem:$0x10200] =	vst v63  }
0x51: {  	v3 =	vperm.xlane v3, v2  }
0x52: {  	[tilespmem:s29], [sflag:$0x2] =	stream.indirect_vreg.gather [hbm4b:s5+s3], $0x80, v4, vm0, $0xb8;
	[tilespmem:$0x10200] =	vst v63  }
0x53: {  	v3 =	vadd.s32 v1, v3  }
0x54: {  	[tilespmem:s30], [sflag:$0x2] =	stream.indirect_vreg.gather [hbm4b:s6+s3], $0x80, v4, vm0, $0xb8;
	[tilespmem:$0x10200] =	vst v63  }
0x55: {  	_ = 	snop  }
0x56: {  	[tilespmem:s31], [sflag:$0x2] =	stream.indirect_vreg.gather [hbm4b:s7+s3], $0x80, v4, vm0, $0xb8;
	[tilespmem:$0x10200] =	vst v63  }
0x57: {  	_ = 	snop  }
0x58: {  	[tilespmem:s0], [sflag:$0x2] =	stream.indirect_vreg.gather [hbm4b:s2+s3], $0x80, v3, vm0, $0xb8;
	[tilespmem:$0x10200] =	vst v63  }
0x59: {  	_ = 	snop  }
0x5a: {  	[tilespmem:s1], [sflag:$0x2] =	stream.indirect_vreg.gather [hbm4b:s5+s3], $0x80, v3, vm0, $0xb8;
	[tilespmem:$0x10200] =	vst v63  }
0x5b: {  	_ = 	snop  }
0x5c: {  	[tilespmem:s12], [sflag:$0x2] =	stream.indirect_vreg.gather [hbm4b:s6+s3], $0x80, v3, vm0, $0xb8;
	[tilespmem:$0x10200] =	vst v63  }
0x5d: {  	_ = 	snop  }
0x5e: {  	[tilespmem:s13], [sflag:$0x2] =	stream.indirect_vreg.gather [hbm4b:s7+s3], $0x80, v3, vm0, $0xb8;
	[tilespmem:$0x10200] =	vst v63  }
0x5f: {  	v3 =	vld [tilespmem:$0x30];
	_ =	sdelay $0x4  }
0x60: {  	v63 =	vshll.u32 v3, $0x3  }
0x61: {  	v3 =	vand.u32 $0x7, v3;
	v4 =	vand.u32 $0xFFFFFFC0, v63  }
0x62: {  	v3 =	vor.u32 v3, v4  }
0x63: {  	v4 =	vperm.xlane v3, v0;
	_ =	sdelay $0x1  }
0x64: {  	v4 =	vadd.s32 v1, v4;
	_ =	sdelay $0x4  }
0x65: {  	[tilespmem:s14], [sflag:$0x2] =	stream.indirect_vreg.gather [hbm4b:s2+s3], $0x80, v4, vm0, $0xb8;
	[tilespmem:$0x10200] =	vst v63  }
0x66: {  	v3 =	vperm.xlane v3, v2  }
0x67: {  	[tilespmem:s15], [sflag:$0x2] =	stream.indirect_vreg.gather [hbm4b:s5+s3], $0x80, v4, vm0, $0xb8;
	[tilespmem:$0x10200] =	vst v63  }
0x68: {  	v3 =	vadd.s32 v1, v3  }
0x69: {  	[tilespmem:s16], [sflag:$0x2] =	stream.indirect_vreg.gather [hbm4b:s6+s3], $0x80, v4, vm0, $0xb8;
	[tilespmem:$0x10200] =	vst v63  }
0x6a: {  	_ = 	snop  }
0x6b: {  	[tilespmem:s17], [sflag:$0x2] =	stream.indirect_vreg.gather [hbm4b:s7+s3], $0x80, v4, vm0, $0xb8;
	[tilespmem:$0x10200] =	vst v63  }
0x6c: {  	_ = 	snop  }
0x6d: {  	[tilespmem:s18], [sflag:$0x2] =	stream.indirect_vreg.gather [hbm4b:s2+s3], $0x80, v3, vm0, $0xb8;
	[tilespmem:$0x10200] =	vst v63  }
0x6e: {  	_ = 	snop  }
0x6f: {  	[tilespmem:s19], [sflag:$0x2] =	stream.indirect_vreg.gather [hbm4b:s5+s3], $0x80, v3, vm0, $0xb8;
	[tilespmem:$0x10200] =	vst v63  }
0x70: {  	_ = 	snop  }
0x71: {  	[tilespmem:s20], [sflag:$0x2] =	stream.indirect_vreg.gather [hbm4b:s6+s3], $0x80, v3, vm0, $0xb8;
	[tilespmem:$0x10200] =	vst v63  }
0x72: {  	s4 =	simm.s32 $0x70;
	s8 =	simm.s32 $0x0  }
0x73: {  	[tilespmem:s21], [sflag:$0x2] =	stream.indirect_vreg.gather [hbm4b:s7+s3], $0x80, v3, vm0, $0xb8;
	[tilespmem:$0x10200] =	vst v63  }
.LBB2_2:
0x74: {  	_ =	swait.ge [sflag:s22], $0x8000  }
0x75: {  	[sflag:s22] =	ssyncset.done $0x0  }
0x76: {  	s10 =	sadd.s32 s8, s9;
	s11 =	simm.s32 $0x200;
	[sflag:s22] =	ssyncadd.s32 $0xFFFF8000  }
0x77: {  	[hbm4b:s10+s3] =	stream.linear.scatter [tilespmem:s11], [sflag:$0x3], $0x8000, $0x38;
	[tilespmem:$0x10200] =	vst v63  }
0x78: {  	_ =	swait.ge [sflag:s23], $0x8000  }
0x79: {  	[sflag:s23] =	ssyncset.done $0x0  }
0x7a: {  	p0 =	seq.s32 s8, $0xE000;
	[sflag:s23] =	ssyncadd.s32 $0xFFFF8000  }
0x7b: {  	v3 =	vld @!p0 [tilespmem:s4+$0xFFFFFFD0];
	_ =	sdelay $0x4  }
0x7c: {  	v4 =	vshll.u32 @!p0 v3, $0x3  }
0x7d: {  	v5 =	vlaneseq.u32 @!p0;
	v3 =	vand.u32 @!p0 $0x7, v3;
	v4 =	vand.u32 @!p0 $0xFFFFFFC0, v4  }
0x7e: {  	v6 =	vshrl.u32 @!p0 v5, $0x3;
	v3 =	vor.u32 @!p0 v3, v4;
	v4 =	vand.u32 @!p0 $0x7, v5  }
0x7f: {  	v6 =	vmul.u32 @!p0 $0x8, v6;
	v7 =	vperm.xlane @!p0 v3, v4;
	_ =	sdelay $0x1  }
0x80: {  	v7 =	vadd.s32 @!p0 v6, v7;
	_ =	sdelay $0x3  }
0x81: {  	vm1 =	vmmov @!p0 $0xffff;
	s26 =	simm.s32 @!p0 $0x0;
	s11 =	simm.s32 @!p0 $0x200  }
0x82: {  	v5 =	vor.u32 @!p0 $0x8, v5;
	[tilespmem:s11], [sflag:$0x1] =	stream.indirect_vreg.gather @!p0 [hbm4b:s2+s26], $0x80, v7, vm1, $0xb8;
	[tilespmem:$0x10200] =	vst v63  }
0x83: {  	v3 =	vperm.xlane @!p0 v3, v5;
	s11 =	simm.s32 @!p0 $0xA00  }
0x84: {  	[tilespmem:s11], [sflag:$0x1] =	stream.indirect_vreg.gather @!p0 [hbm4b:s5+s26], $0x80, v7, vm1, $0xb8;
	[tilespmem:$0x10200] =	vst v63  }
0x85: {  	v3 =	vadd.s32 @!p0 v6, v3;
	s11 =	simm.s32 @!p0 $0x1200  }
0x86: {  	[tilespmem:s11], [sflag:$0x1] =	stream.indirect_vreg.gather @!p0 [hbm4b:s6+s26], $0x80, v7, vm1, $0xb8;
	[tilespmem:$0x10200] =	vst v63  }
0x87: {  	s11 =	simm.s32 @!p0 $0x1A00  }
0x88: {  	[tilespmem:s11], [sflag:$0x1] =	stream.indirect_vreg.gather @!p0 [hbm4b:s7+s26], $0x80, v7, vm1, $0xb8;
	[tilespmem:$0x10200] =	vst v63  }
0x89: {  	s11 =	simm.s32 @!p0 $0x2200  }
0x8a: {  	[tilespmem:s11], [sflag:$0x1] =	stream.indirect_vreg.gather @!p0 [hbm4b:s2+s26], $0x80, v3, vm1, $0xb8;
	[tilespmem:$0x10200] =	vst v63  }
0x8b: {  	s11 =	simm.s32 @!p0 $0x2A00  }
0x8c: {  	[tilespmem:s11], [sflag:$0x1] =	stream.indirect_vreg.gather @!p0 [hbm4b:s5+s26], $0x80, v3, vm1, $0xb8;
	[tilespmem:$0x10200] =	vst v63  }
0x8d: {  	s11 =	simm.s32 @!p0 $0x3200  }
0x8e: {  	[tilespmem:s11], [sflag:$0x1] =	stream.indirect_vreg.gather @!p0 [hbm4b:s6+s26], $0x80, v3, vm1, $0xb8;
	[tilespmem:$0x10200] =	vst v63  }
0x8f: {  	s11 =	simm.s32 @!p0 $0x3A00  }
0x90: {  	[tilespmem:s11], [sflag:$0x1] =	stream.indirect_vreg.gather @!p0 [hbm4b:s7+s26], $0x80, v3, vm1, $0xb8;
	[tilespmem:$0x10200] =	vst v63  }
0x91: {  	v3 =	vld @!p0 [tilespmem:s4+$0xFFFFFFE0];
	_ =	sdelay $0x4  }
0x92: {  	v7 =	vshll.u32 @!p0 v3, $0x3  }
0x93: {  	v3 =	vand.u32 @!p0 $0x7, v3;
	v7 =	vand.u32 @!p0 $0xFFFFFFC0, v7  }
0x94: {  	v3 =	vor.u32 @!p0 v3, v7  }
0x95: {  	v4 =	vperm.xlane @!p0 v3, v4;
	_ =	sdelay $0x1  }
0x96: {  	v4 =	vadd.s32 @!p0 v6, v4;
	_ =	sdelay $0x3  }
0x97: {  	s11 =	simm.s32 @!p0 $0x4200  }
0x98: {  	[tilespmem:s11], [sflag:$0x1] =	stream.indirect_vreg.gather @!p0 [hbm4b:s2+s26], $0x80, v4, vm1, $0xb8;
	[tilespmem:$0x10200] =	vst v63  }
0x99: {  	v3 =	vperm.xlane @!p0 v3, v5;
	s11 =	simm.s32 @!p0 $0x4A00  }
0x9a: {  	[tilespmem:s11], [sflag:$0x1] =	stream.indirect_vreg.gather @!p0 [hbm4b:s5+s26], $0x80, v4, vm1, $0xb8;
	[tilespmem:$0x10200] =	vst v63  }
0x9b: {  	v3 =	vadd.s32 @!p0 v6, v3;
	s11 =	simm.s32 @!p0 $0x5200  }
0x9c: {  	[tilespmem:s11], [sflag:$0x1] =	stream.indirect_vreg.gather @!p0 [hbm4b:s6+s26], $0x80, v4, vm1, $0xb8;
	[tilespmem:$0x10200] =	vst v63  }
0x9d: {  	s11 =	simm.s32 @!p0 $0x5A00  }
0x9e: {  	[tilespmem:s11], [sflag:$0x1] =	stream.indirect_vreg.gather @!p0 [hbm4b:s7+s26], $0x80, v4, vm1, $0xb8;
	[tilespmem:$0x10200] =	vst v63  }
0x9f: {  	s11 =	simm.s32 @!p0 $0x6200  }
0xa0: {  	[tilespmem:s11], [sflag:$0x1] =	stream.indirect_vreg.gather @!p0 [hbm4b:s2+s26], $0x80, v3, vm1, $0xb8;
	[tilespmem:$0x10200] =	vst v63  }
0xa1: {  	s11 =	simm.s32 @!p0 $0x6A00  }
0xa2: {  	[tilespmem:s11], [sflag:$0x1] =	stream.indirect_vreg.gather @!p0 [hbm4b:s5+s26], $0x80, v3, vm1, $0xb8;
	[tilespmem:$0x10200] =	vst v63  }
0xa3: {  	s11 =	simm.s32 @!p0 $0x7200  }
0xa4: {  	[tilespmem:s11], [sflag:$0x1] =	stream.indirect_vreg.gather @!p0 [hbm4b:s6+s26], $0x80, v3, vm1, $0xb8;
	[tilespmem:$0x10200] =	vst v63  }
0xa5: {  	s11 =	simm.s32 @!p0 $0x7A00  }
0xa6: {  	[tilespmem:s11], [sflag:$0x1] =	stream.indirect_vreg.gather @!p0 [hbm4b:s7+s26], $0x80, v3, vm1, $0xb8;
	[tilespmem:$0x10200] =	vst v63  }
0xa7: {  	_ =	swait.ge [sflag:s24], $0x8000  }
0xa8: {  	[sflag:s24] =	ssyncset.done $0x0  }
.Ltmp2:
0xa9: {  	s10 =	sadd.s32 $0x1000, s10;
	[sflag:s24] =	ssyncadd.s32 $0xFFFF8000;
	(pc) =	sbr.rel @p0 .LBB2_4-.Ltmp2, $4  }
0xaa: {  	[hbm4b:s10+s3] =	stream.linear.scatter [tilespmem:s28], [sflag:$0x4], $0x8000, $0x38;
	[tilespmem:$0x10200] =	vst v63  }
0xab: {  	_ =	swait.ge [sflag:s25], $0x8000  }
0xac: {  	[sflag:s25] =	ssyncset.done $0x0  }
0xad: {  	[sflag:s25] =	ssyncadd.s32 $0xFFFF8000  }
0xae: {  	v3 =	vld [tilespmem:s4+$0xFFFFFFF0];
	_ =	sdelay $0x4  }
0xaf: {  	v4 =	vshll.u32 v3, $0x3  }
0xb0: {  	v3 =	vand.u32 $0x7, v3;
	v4 =	vand.u32 $0xFFFFFFC0, v4  }
0xb1: {  	v3 =	vor.u32 v3, v4  }
0xb2: {  	v4 =	vperm.xlane v3, v0;
	_ =	sdelay $0x1  }
0xb3: {  	v4 =	vadd.s32 v1, v4;
	_ =	sdelay $0x4  }
0xb4: {  	[tilespmem:s28], [sflag:$0x2] =	stream.indirect_vreg.gather [hbm4b:s2+s3], $0x80, v4, vm0, $0xb8;
	[tilespmem:$0x10200] =	vst v63  }
0xb5: {  	v3 =	vperm.xlane v3, v2  }
0xb6: {  	[tilespmem:s29], [sflag:$0x2] =	stream.indirect_vreg.gather [hbm4b:s5+s3], $0x80, v4, vm0, $0xb8;
	[tilespmem:$0x10200] =	vst v63  }
0xb7: {  	v3 =	vadd.s32 v1, v3  }
0xb8: {  	[tilespmem:s30], [sflag:$0x2] =	stream.indirect_vreg.gather [hbm4b:s6+s3], $0x80, v4, vm0, $0xb8;
	[tilespmem:$0x10200] =	vst v63  }
0xb9: {  	_ = 	snop  }
0xba: {  	[tilespmem:s31], [sflag:$0x2] =	stream.indirect_vreg.gather [hbm4b:s7+s3], $0x80, v4, vm0, $0xb8;
	[tilespmem:$0x10200] =	vst v63  }
0xbb: {  	_ = 	snop  }
0xbc: {  	[tilespmem:s0], [sflag:$0x2] =	stream.indirect_vreg.gather [hbm4b:s2+s3], $0x80, v3, vm0, $0xb8;
	[tilespmem:$0x10200] =	vst v63  }
0xbd: {  	_ = 	snop  }
0xbe: {  	[tilespmem:s1], [sflag:$0x2] =	stream.indirect_vreg.gather [hbm4b:s5+s3], $0x80, v3, vm0, $0xb8;
	[tilespmem:$0x10200] =	vst v63  }
0xbf: {  	_ = 	snop  }
0xc0: {  	[tilespmem:s12], [sflag:$0x2] =	stream.indirect_vreg.gather [hbm4b:s6+s3], $0x80, v3, vm0, $0xb8;
	[tilespmem:$0x10200] =	vst v63  }
0xc1: {  	_ = 	snop  }
0xc2: {  	[tilespmem:s13], [sflag:$0x2] =	stream.indirect_vreg.gather [hbm4b:s7+s3], $0x80, v3, vm0, $0xb8;
	[tilespmem:$0x10200] =	vst v63  }
0xc3: {  	v3 =	vld [tilespmem:s4+$0x0];
	_ =	sdelay $0x4  }
0xc4: {  	v63 =	vshll.u32 v3, $0x3  }
0xc5: {  	v3 =	vand.u32 $0x7, v3;
	v4 =	vand.u32 $0xFFFFFFC0, v63  }
0xc6: {  	v3 =	vor.u32 v3, v4  }
0xc7: {  	v4 =	vperm.xlane v3, v0;
	_ =	sdelay $0x1  }
0xc8: {  	v4 =	vadd.s32 v1, v4;
	_ =	sdelay $0x4  }
0xc9: {  	[tilespmem:s14], [sflag:$0x2] =	stream.indirect_vreg.gather [hbm4b:s2+s3], $0x80, v4, vm0, $0xb8;
	[tilespmem:$0x10200] =	vst v63  }
0xca: {  	v3 =	vperm.xlane v3, v2  }
0xcb: {  	[tilespmem:s15], [sflag:$0x2] =	stream.indirect_vreg.gather [hbm4b:s5+s3], $0x80, v4, vm0, $0xb8;
	[tilespmem:$0x10200] =	vst v63  }
0xcc: {  	v3 =	vadd.s32 v1, v3  }
0xcd: {  	[tilespmem:s16], [sflag:$0x2] =	stream.indirect_vreg.gather [hbm4b:s6+s3], $0x80, v4, vm0, $0xb8;
	[tilespmem:$0x10200] =	vst v63  }
0xce: {  	_ = 	snop  }
0xcf: {  	[tilespmem:s17], [sflag:$0x2] =	stream.indirect_vreg.gather [hbm4b:s7+s3], $0x80, v4, vm0, $0xb8;
	[tilespmem:$0x10200] =	vst v63  }
0xd0: {  	_ = 	snop  }
0xd1: {  	[tilespmem:s18], [sflag:$0x2] =	stream.indirect_vreg.gather [hbm4b:s2+s3], $0x80, v3, vm0, $0xb8;
	[tilespmem:$0x10200] =	vst v63  }
0xd2: {  	_ = 	snop  }
0xd3: {  	[tilespmem:s19], [sflag:$0x2] =	stream.indirect_vreg.gather [hbm4b:s5+s3], $0x80, v3, vm0, $0xb8;
	[tilespmem:$0x10200] =	vst v63  }
.Ltmp3:
0xd4: {  	_ = 	snop;
	(pc) =	sbr.rel .LBB2_2-.Ltmp3, $4  }
0xd5: {  	_ = 	snop  }
0xd6: {  	[tilespmem:s20], [sflag:$0x2] =	stream.indirect_vreg.gather [hbm4b:s6+s3], $0x80, v3, vm0, $0xb8;
	[tilespmem:$0x10200] =	vst v63  }
0xd7: {  	s8 =	sadd.s32 $0x2000, s8;
	s4 =	sadd.s32 $0x40, s4  }
0xd8: {  	[tilespmem:s21], [sflag:$0x2] =	stream.indirect_vreg.gather [hbm4b:s7+s3], $0x80, v3, vm0, $0xb8;
	[tilespmem:$0x10200] =	vst v63  }
.LBB2_5:
0xd9: {  	_ =	sfence.sel $0x180000  }
0xda: {  	[bflag:$0x0] =	sbarrier.arrive $0xFFFF  }
0xdb: {  	_ =	strace $0x90000047  }
0xdc: {  	s0 =	stileid.u32;
	[bflag:$0x2] =	sbarrier.arrive $0xFFFF  }
0xdd: {  	p0 =	sne.s32 s0, $0x0;
	s0 =	rddreg [dreg:$0x2]  }
0xde: {  	s0 =	sadd.s32 @!p0 $0x100000, s0  }
0xdf: {  	[sflag:s0] =	ssyncadd.tile.s32 @!p0 $0x1;
	_ =	shalt  }
.Lfunc_end2:
_tile_overlayer_lowered:
.L_overlay_start_2:
0xe0: {  	(tag) =	ssettag $0x2  }
0xe1: {  	s0 =	rddreg [dreg:$0x0];
	s2 =	stileid.u32  }
0xe2: {  	s1 =	rddreg [dreg:$0x1];
	p0 =	sne.s32 s2, $0x0  }
0xe3: {  	s3 =	rddreg [dreg:$0x2];
	[bflag:$0x3] =	sbarrier.arrive $0xFFFF;
	s2 =	simm.s32 @!p0 $0x1C05  }
0xe4: {  	[timem:s3], [sflag:s2] =	dma.local @!p0 [hbm:s0], s1  }
0xe5: {  	s0 =	simm.s32 @!p0 $0x5  }
0xe6: {  	_ =	swait.ge @!p0 [sflag:s0], s1  }
0xe7: {  	s1 =	ssub.s32 @!p0 $0x0, s1;
	[sflag:s0] =	ssyncset.done @!p0 $0x0  }
0xe8: {  	[sflag:s0] =	ssyncadd.s32 @!p0 s1  }
0xe9: {  	[bflag:$0x3] =	sbarrier.arrive $0xFFFF  }
0xea: {  	_ =	shalt  }

</sc_bundles>
